<compile_context>
chip_gen: v7x
topology: tpu7x:2x2x1
jax: 0.10.2.dev20260603
libtpu: 0.0.44.dev20260713+nightly
codegen_flags: <defaults>
</compile_context>

<pallas_src>
import functools

import jax
import jax.numpy as jnp
from jax import lax
from jax.experimental import pallas as pl
from jax.experimental.pallas import tpu as pltpu
from jax.experimental.pallas import tpu_sc as plsc

_NC = 2
_NS = 16
_NW = _NC * _NS
_G = 64
_BR = 1024


def _k1_body(src_hbm, dst_hbm, dpo_hbm, dpi_hbm, sv, dv, ho, hi, sems, semd,
             *, NP, EW):
    c = lax.axis_index("c")
    s = lax.axis_index("s")
    wid = c * _NS + s
    z16 = jnp.zeros((16,), jnp.float32)

    e0 = pl.multiple_of(wid * EW, 8)
    cps = pltpu.async_copy(src_hbm.at[pl.ds(e0, EW)], sv, sems)
    cpd = pltpu.async_copy(dst_hbm.at[pl.ds(e0, EW)], dv, semd)

    def zero_body(j, _):
        for u in range(8):
            ho[pl.ds(j * 128 + u * 16, 16)] = z16
            hi[pl.ds(j * 128 + u * 16, 16)] = z16
        return 0

    lax.fori_loop(0, NP // 128, zero_body, 0)
    cps.wait()
    cpd.wait()
    ones = jnp.ones((16,), jnp.float32)

    def edge_body(j, _):
        for u in range(5):
            si = sv[pl.ds(j * 80 + u * 16, 16)]
            di = dv[pl.ds(j * 80 + u * 16, 16)]
            plsc.addupdate_scatter(ho, [si], ones)
            plsc.addupdate_scatter(hi, [di], ones)
        return 0

    lax.fori_loop(0, EW // 80, edge_body, 0)
    pltpu.sync_copy(ho, dpo_hbm.at[wid])
    pltpu.sync_copy(hi, dpi_hbm.at[wid])


def _make_k1(NP, EW):
    mesh = plsc.VectorSubcoreMesh(core_axis_name="c", subcore_axis_name="s")
    return pl.kernel(
        functools.partial(_k1_body, NP=NP, EW=EW),
        out_type=(
            jax.ShapeDtypeStruct((_NW, NP), jnp.float32),
            jax.ShapeDtypeStruct((_NW, NP), jnp.float32),
        ),
        mesh=mesh,
        compiler_params=pltpu.CompilerParams(needs_layout_passes=False),
        scratch_types=[
            pltpu.VMEM((EW,), jnp.int32),
            pltpu.VMEM((EW,), jnp.int32),
            pltpu.VMEM((NP,), jnp.float32),
            pltpu.VMEM((NP,), jnp.float32),
            pltpu.SemaphoreType.DMA,
            pltpu.SemaphoreType.DMA,
        ],
    )


def _k2_body(dpo_ref, dpi_ref, x_ref, xn_ref, no_ref, ni_ref):
    deg_o = jnp.sum(dpo_ref[...], axis=0)
    deg_i = jnp.sum(dpi_ref[...], axis=0)
    no = lax.rsqrt(jnp.where(deg_o > 0.0, deg_o, 1.0))
    ni = lax.rsqrt(jnp.where(deg_i > 0.0, deg_i, 1.0))
    no_ref[...] = no[None, :]
    ni_ref[...] = ni[None, :]
    xn_ref[...] = x_ref[...] * no[:, None]


def _make_k2(NP, D):
    nb = NP // _BR
    return pl.pallas_call(
        _k2_body,
        grid=(nb,),
        in_specs=[
            pl.BlockSpec((_NW, _BR), lambda i: (0, i)),
            pl.BlockSpec((_NW, _BR), lambda i: (0, i)),
            pl.BlockSpec((_BR, D), lambda i: (i, 0)),
        ],
        out_specs=[
            pl.BlockSpec((_BR, D), lambda i: (i, 0)),
            pl.BlockSpec((1, _BR), lambda i: (0, i)),
            pl.BlockSpec((1, _BR), lambda i: (0, i)),
        ],
        out_shape=[
            jax.ShapeDtypeStruct((NP, D), jnp.float32),
            jax.ShapeDtypeStruct((1, NP), jnp.float32),
            jax.ShapeDtypeStruct((1, NP), jnp.float32),
        ],
    )


def _k3_body(xn_hbm, src_hbm, dst_hbm, nin_hbm, agg_hbm, sp_hbm,
             sidx0, didx0, rows0, sidx1, didx1, rows1, sidx2, didx2, rows2,
             tsidx, tdidx, didxs0, didxs1, didxs2, ninv, sloc, agg_sh,
             sem0, sem1, sem2, semt, semi0, semi1, semi2,
             semsc0, semsc1, semsc2, *, NP, EW, D):
    c = lax.axis_index("c")
    s = lax.axis_index("s")
    wid = c * _NS + s
    rpt = NP // _NS
    z16 = jnp.zeros((16,), jnp.float32)
    ncf = ((EW // _G) // 3) * 3
    tail = EW - ncf * _G
    ebase = wid * EW

    def zero_body(j, _):
        for u in range(8):
            sloc[pl.ds(j * 128 + u * 16, 16)] = z16
        return 0

    lax.fori_loop(0, NP // 128, zero_body, 0)

    def zrow_body(i, _):
        for u in range(D // 16):
            rows0[i, pl.ds(u * 16, 16)] = z16
        return 0

    lax.fori_loop(0, _G, zrow_body, 0)
    r0 = pl.multiple_of(s * rpt, 8)
    nfull, rem = rpt // _G, rpt % _G
    for t in range(nfull):
        pltpu.async_copy(rows0, agg_sh.at[pl.ds(r0 + t * _G, _G)], semt)
    if rem:
        pltpu.async_copy(rows0.at[pl.ds(0, rem)],
                         agg_sh.at[pl.ds(r0 + nfull * _G, rem)], semt)
    pltpu.sync_copy(nin_hbm, ninv)
    for t in range(nfull):
        pltpu.make_async_copy(rows0, agg_sh.at[pl.ds(r0, _G)], semt).wait()
    if rem:
        pltpu.make_async_copy(rows0.at[pl.ds(0, rem)],
                              agg_sh.at[pl.ds(r0, rem)], semt).wait()

    def fire_idx(k, sv, dv, semi):
        e0 = pl.multiple_of(ebase + k * _G, 8)
        pltpu.async_copy(src_hbm.at[pl.ds(e0, _G)], sv, semi)
        pltpu.async_copy(dst_hbm.at[pl.ds(e0, _G)], dv, semi)

    def wait_idx(sv, dv, semi):
        dummy = pl.multiple_of(ebase, 8)
        pltpu.make_async_copy(src_hbm.at[pl.ds(dummy, _G)], sv, semi).wait()
        pltpu.make_async_copy(dst_hbm.at[pl.ds(dummy, _G)], dv, semi).wait()

    def spass(sv, dv, n):
        for j in range(n // 16):
            si = sv[pl.ds(j * 16, 16)]
            di = dv[pl.ds(j * 16, 16)]
            vals = plsc.load_gather(ninv, [di])
            plsc.addupdate_scatter(sloc, [si], vals)

    fire_idx(0, sidx0, didx0, semi0)
    wait_idx(sidx0, didx0, semi0)
    pltpu.async_copy(xn_hbm.at[sidx0], rows0, sem0)
    fire_idx(1, sidx1, didx1, semi1)
    wait_idx(sidx1, didx1, semi1)
    pltpu.async_copy(xn_hbm.at[sidx1], rows1, sem1)
    fire_idx(2, sidx2, didx2, semi2)
    plsc.subcore_barrier()

    def phase(k, cur, nxt, nn):
        (csi, cdi, crows, cdis, csemi, csemg, csemsc) = cur
        (msi, mdi, mrows, mdis, msemi, msemg, msemsc) = nn

        @pl.when(k + 2 < ncf)
        def _():
            @pl.when(k >= 1)
            def _():
                pltpu.make_async_copy(mrows, agg_sh.at[mdis], msemsc).wait()

            wait_idx(msi, mdi, msemi)
            pltpu.async_copy(xn_hbm.at[msi], mrows, msemg)

        spass(csi, cdi, _G)
        pltpu.make_async_copy(xn_hbm.at[csi], crows, csemg).wait()
        for j in range(_G // 16):
            cdis[pl.ds(j * 16, 16)] = cdi[pl.ds(j * 16, 16)]
        pltpu.async_copy(crows, agg_sh.at[cdis], csemsc, add=True)

        @pl.when(k + 3 < ncf)
        def _():
            fire_idx(k + 3, csi, cdi, csemi)

    bufA = (sidx0, didx0, rows0, didxs0, semi0, sem0, semsc0)
    bufB = (sidx1, didx1, rows1, didxs1, semi1, sem1, semsc1)
    bufC = (sidx2, didx2, rows2, didxs2, semi2, sem2, semsc2)

    def triple(p, _):
        phase(p * 3, bufA, bufB, bufC)
        phase(p * 3 + 1, bufB, bufC, bufA)
        phase(p * 3 + 2, bufC, bufA, bufB)
        return 0

    lax.fori_loop(0, ncf // 3, triple, 0)
    pltpu.make_async_copy(rows0, agg_sh.at[didxs0], semsc0).wait()
    pltpu.make_async_copy(rows1, agg_sh.at[didxs1], semsc1).wait()
    pltpu.make_async_copy(rows2, agg_sh.at[didxs2], semsc2).wait()

    if tail:
        e0 = pl.multiple_of(ebase + ncf * _G, 8)
        pltpu.sync_copy(src_hbm.at[pl.ds(e0, tail)], tsidx)
        pltpu.sync_copy(dst_hbm.at[pl.ds(e0, tail)], tdidx)
        cp = pltpu.async_copy(xn_hbm.at[tsidx], rows0.at[pl.ds(0, tail)], semt)
        spass(tsidx, tdidx, tail)
        cp.wait()
        pltpu.sync_copy(rows0.at[pl.ds(0, tail)], agg_sh.at[tdidx], add=True)

    plsc.subcore_barrier()
    pltpu.sync_copy(agg_sh.at[pl.ds(r0, rpt)], agg_hbm.at[c, pl.ds(r0, rpt)])
    pltpu.sync_copy(sloc, sp_hbm.at[wid])


def _make_k3(NP, EW, D):
    tail = EW - ((EW // _G) // 3) * 3 * _G
    mesh = plsc.VectorSubcoreMesh(core_axis_name="c", subcore_axis_name="s")
    return pl.kernel(
        functools.partial(_k3_body, NP=NP, EW=EW, D=D),
        out_type=(
            jax.ShapeDtypeStruct((_NC, NP, D), jnp.float32),
            jax.ShapeDtypeStruct((_NW, NP), jnp.float32),
        ),
        mesh=mesh,
        compiler_params=pltpu.CompilerParams(needs_layout_passes=False),
        scratch_types=(
            [pltpu.VMEM((_G,), jnp.int32), pltpu.VMEM((_G,), jnp.int32),
             pltpu.VMEM((_G, D), jnp.float32)] * 3
            + [pltpu.VMEM((max(tail, 8),), jnp.int32),
               pltpu.VMEM((max(tail, 8),), jnp.int32)]
            + [pltpu.VMEM((_G,), jnp.int32)] * 3
            + [pltpu.VMEM((NP,), jnp.float32),
               pltpu.VMEM((NP,), jnp.float32),
               pltpu.VMEM_SHARED((NP, D), jnp.float32)]
            + [pltpu.SemaphoreType.DMA] * 10
        ),
    )


def _k4_body(agg_ref, sp_ref, no_ref, ni_ref, w1_ref, b1_ref,
             w2_ref, b2_ref, out_ref, vacc, *, nb, n_nodes):
    i = pl.program_id(0)

    @pl.when(i == 0)
    def _():
        vacc[...] = jnp.zeros_like(vacc)

    agg = agg_ref[0] + agg_ref[1]
    z = jnp.dot(agg, w1_ref[...], preferred_element_type=jnp.float32)
    h1 = jnp.maximum(z * ni_ref[0, :][:, None] + b1_ref[...], 0.0)
    w = no_ref[...] * jnp.sum(sp_ref[...], axis=0)[None, :]
    vacc[...] += jnp.dot(w, h1, preferred_element_type=jnp.float32)

    @pl.when(i == nb - 1)
    def _():
        v = vacc[...] * (1.0 / n_nodes)
        out_ref[...] = (
            jnp.dot(v, w2_ref[...], preferred_element_type=jnp.float32)
            + b2_ref[...]
        )


def _make_k4(NP, D, H, n_nodes):
    nb = NP // _BR
    return pl.pallas_call(
        functools.partial(_k4_body, nb=nb, n_nodes=n_nodes),
        grid=(nb,),
        in_specs=[
            pl.BlockSpec((_NC, _BR, D), lambda i: (0, i, 0)),
            pl.BlockSpec((_NW, _BR), lambda i: (0, i)),
            pl.BlockSpec((1, _BR), lambda i: (0, i)),
            pl.BlockSpec((1, _BR), lambda i: (0, i)),
            pl.BlockSpec((D, H), lambda i: (0, 0)),
            pl.BlockSpec((1, H), lambda i: (0, 0)),
            pl.BlockSpec((H, 128), lambda i: (0, 0)),
            pl.BlockSpec((1, 128), lambda i: (0, 0)),
        ],
        out_specs=pl.BlockSpec((1, 128), lambda i: (0, 0)),
        out_shape=jax.ShapeDtypeStruct((1, 128), jnp.float32),
        scratch_shapes=[pltpu.VMEM((1, 128), jnp.float32)],
    )


def kernel(x, edge_index, W1, b1, W2, b2):
    N, D = x.shape
    E = edge_index.shape[1]
    H = W1.shape[1]
    C = W2.shape[1]
    NP = -(-N // 2048) * 2048
    EW = E // _NW
    assert E % (_NW * 8) == 0 and NP % (_NS * 8) == 0 and NP % _BR == 0

    src = edge_index[0]
    dst = edge_index[1]
    dpo, dpi = _make_k1(NP, EW)(src, dst)
    xn, no_, ni_ = _make_k2(NP, D)(dpo, dpi, x)
    agg2, spart = _make_k3(NP, EW, D)(xn, src, dst, ni_.reshape(NP))
    w2p = jnp.pad(W2, ((0, 0), (0, 128 - C)))
    b2p = jnp.pad(b2, (0, 128 - C)).reshape(1, 128)
    out = _make_k4(NP, D, H, N)(
        agg2, spart, no_, ni_, W1, b1.reshape(1, H), w2p, b2p)
    return out[:, :C]

# --- scband reference (transcript-rebuilt; emitter-appended) ---
"""Pipeline reference for scband-gcn-88699664597547 (READ-ONLY COPY).

The authoritative reference and input builder live on the scoring server;
editing this copy changes nothing except your own understanding.
"""

import jax, jax.numpy as jnp
import numpy as np

N = 10000
E = 320000
D = 128
H = 128
C = 8


def setup_inputs(seed: int = 0) -> dict:
    key = jax.random.key(seed)
    k1, k2, k3, k4 = jax.random.split(key, 4)
    x = jax.random.normal(k1, (N, D), dtype=jnp.float32)
    edge_index = jax.random.randint(k2, (2, E), 0, N, dtype=jnp.int32)
    W1 = jax.random.normal(k3, (D, H), dtype=jnp.float32) * 0.05
    b1 = jnp.zeros((H,), dtype=jnp.float32)
    W2 = jax.random.normal(k4, (H, C), dtype=jnp.float32) * 0.05
    b2 = jnp.zeros((C,), dtype=jnp.float32)
    return {"x": x, "edge_index": edge_index, "W1": W1, "b1": b1, "W2": W2, "b2": b2}


def _graph_conv(h, src, dst, norm_out, norm_in, W, b):
    # DGL GraphConv with norm='both': D_out^{-1/2} then A^T aggregation then D_in^{-1/2}
    h = h * norm_out[:, None]
    h = h @ W
    agg = jnp.zeros((N, h.shape[1]), dtype=h.dtype).at[dst].add(h[src])
    return agg * norm_in[:, None] + b


def reference(x, edge_index, W1, b1, W2, b2):
    src = edge_index[0]
    dst = edge_index[1]
    ones = jnp.ones((E,), dtype=jnp.float32)
    deg_out = jnp.zeros((N,), dtype=jnp.float32).at[src].add(ones)
    deg_in = jnp.zeros((N,), dtype=jnp.float32).at[dst].add(ones)
    norm_out = jnp.where(deg_out > 0, deg_out, 1.0) ** -0.5
    norm_in = jnp.where(deg_in > 0, deg_in, 1.0) ** -0.5
    h = _graph_conv(x, src, dst, norm_out, norm_in, W1, b1)
    h = jax.nn.relu(h)
    h = _graph_conv(h, src, dst, norm_out, norm_in, W2, b2)
    # dgl.mean_nodes on a single (unbatched) graph -> mean over all nodes, batch dim 1
    return jnp.mean(h, axis=0, keepdims=True)

if __name__ == "__main__":
    import jax
    _d = setup_inputs()
    print(jax.jit(kernel)(*tuple(_d.values())))

</pallas_src>

<mosaic_0001>
#map = affine_map<(d0, d1) -> (0)>
#map1 = affine_map<(d0, d1) -> (0, 0)>
module attributes {stable_mosaic.version = 14 : i64} {
  func.func @_k1_body(%arg0: i32, %arg1: i32, %arg2: memref<320000xi32, #tpu.memory_space<hbm>>, %arg3: memref<320000xi32, #tpu.memory_space<hbm>>, %arg4: memref<32x10240xf32, #tpu.memory_space<hbm>>, %arg5: memref<32x10240xf32, #tpu.memory_space<hbm>>, %arg6: memref<10000xi32, #tpu.memory_space<vmem>>, %arg7: memref<10000xi32, #tpu.memory_space<vmem>>, %arg8: memref<10240xf32, #tpu.memory_space<vmem>>, %arg9: memref<10240xf32, #tpu.memory_space<vmem>>, %arg10: memref<!tpu.dma_semaphore, #tpu.memory_space<semaphore_mem>>, %arg11: memref<!tpu.dma_semaphore, #tpu.memory_space<semaphore_mem>>) attributes {dimension_semantics = [#tpu.dimension_semantics<core_parallel>, #tpu.dimension_semantics<subcore_parallel>], iteration_bounds = array<i64: 2, 16>, scalar_prefetch = 0 : i64, scratch_operands = 6 : i64, tpu.core_type = #tpu.core_type<sc_vector_subcore>, window_params = [{transform_indices = #map}, {transform_indices = #map}, {transform_indices = #map1}, {transform_indices = #map1}]} {
    %mul3A = arith.constant 16 : i32
    %mul3A_0 = arith.muli %arg0, %mul3A : i32
    %add3A = arith.addi %mul3A_0, %arg1 : i32
    %broadcast_in_dim3A = arith.constant 0.000000e+00 : f32
    %broadcast_in_dim3A_1 = vector.broadcast %broadcast_in_dim3A : f32 to vector<16xf32>
    %mul3A_2 = arith.constant 10000 : i32
    %mul3A_3 = arith.muli %add3A, %mul3A_2 : i32
    %multiple_of3A = tpu.assume_multiple %mul3A_3, 8 : i32
    %dma_start3A = tpu.memref_slice %arg2[%multiple_of3A] : memref<320000xi32, #tpu.memory_space<hbm>> -> memref<10000xi32, #tpu.memory_space<hbm>>
    %dma_start3A_4 = tpu.memref_slice %arg2[%multiple_of3A] : memref<320000xi32, #tpu.memory_space<hbm>> -> memref<10000xi32, #tpu.memory_space<hbm>>
    tpu.enqueue_dma source(%dma_start3A_4 : memref<10000xi32, #tpu.memory_space<hbm>>) target(%arg6 : memref<10000xi32, #tpu.memory_space<vmem>>) target_semaphore(%arg10 : memref<!tpu.dma_semaphore, #tpu.memory_space<semaphore_mem>>)
    %dma_start3A_5 = tpu.memref_slice %arg3[%multiple_of3A] : memref<320000xi32, #tpu.memory_space<hbm>> -> memref<10000xi32, #tpu.memory_space<hbm>>
    %dma_start3A_6 = tpu.memref_slice %arg3[%multiple_of3A] : memref<320000xi32, #tpu.memory_space<hbm>> -> memref<10000xi32, #tpu.memory_space<hbm>>
    tpu.enqueue_dma source(%dma_start3A_6 : memref<10000xi32, #tpu.memory_space<hbm>>) target(%arg7 : memref<10000xi32, #tpu.memory_space<vmem>>) target_semaphore(%arg11 : memref<!tpu.dma_semaphore, #tpu.memory_space<semaphore_mem>>)
    %scan3A = arith.constant 0 : i32
    %scan3A_7 = arith.constant 0 : i32
    %scan3A_8 = arith.constant 80 : i32
    %scan3A_9 = arith.addi %scan3A_7, %scan3A_8 : i32
    %scan3A_10 = arith.constant 1 : i32
    %scan3A_11 = scf.for %scan3A_25 = %scan3A_7 to %scan3A_9 step %scan3A_10 iter_args(%scan3A_26 = %scan3A) -> (i32)  : i32 {
      %mul3A_27 = arith.constant 128 : i32
      %mul3A_28 = arith.muli %scan3A_25, %mul3A_27 : i32
      %add3A_29 = arith.constant 0 : i32
      %add3A_30 = arith.addi %mul3A_28, %add3A_29 : i32
      %swap3A = arith.index_cast %add3A_30 : i32 to index
      %swap3A_31 = tpu.vector_load %arg8[%swap3A] {strides = array<i32>} : memref<10240xf32, #tpu.memory_space<vmem>>, vector<16xf32>,
      tpu.vector_store %arg8[%swap3A], %broadcast_in_dim3A_1 {strides = array<i32>} : memref<10240xf32, #tpu.memory_space<vmem>>, vector<16xf32>,
      %mul3A_32 = arith.constant 128 : i32
      %mul3A_33 = arith.muli %scan3A_25, %mul3A_32 : i32
      %add3A_34 = arith.constant 0 : i32
      %add3A_35 = arith.addi %mul3A_33, %add3A_34 : i32
      %swap3A_36 = arith.index_cast %add3A_35 : i32 to index
      %swap3A_37 = tpu.vector_load %arg9[%swap3A_36] {strides = array<i32>} : memref<10240xf32, #tpu.memory_space<vmem>>, vector<16xf32>,
      tpu.vector_store %arg9[%swap3A_36], %broadcast_in_dim3A_1 {strides = array<i32>} : memref<10240xf32, #tpu.memory_space<vmem>>, vector<16xf32>,
      %mul3A_38 = arith.constant 128 : i32
      %mul3A_39 = arith.muli %scan3A_25, %mul3A_38 : i32
      %add3A_40 = arith.constant 16 : i32
      %add3A_41 = arith.addi %mul3A_39, %add3A_40 : i32
      %swap3A_42 = arith.index_cast %add3A_41 : i32 to index
      %swap3A_43 = tpu.vector_load %arg8[%swap3A_42] {strides = array<i32>} : memref<10240xf32, #tpu.memory_space<vmem>>, vector<16xf32>,
      tpu.vector_store %arg8[%swap3A_42], %broadcast_in_dim3A_1 {strides = array<i32>} : memref<10240xf32, #tpu.memory_space<vmem>>, vector<16xf32>,
      %mul3A_44 = arith.constant 128 : i32
      %mul3A_45 = arith.muli %scan3A_25, %mul3A_44 : i32
      %add3A_46 = arith.constant 16 : i32
      %add3A_47 = arith.addi %mul3A_45, %add3A_46 : i32
      %swap3A_48 = arith.index_cast %add3A_47 : i32 to index
      %swap3A_49 = tpu.vector_load %arg9[%swap3A_48] {strides = array<i32>} : memref<10240xf32, #tpu.memory_space<vmem>>, vector<16xf32>,
      tpu.vector_store %arg9[%swap3A_48], %broadcast_in_dim3A_1 {strides = array<i32>} : memref<10240xf32, #tpu.memory_space<vmem>>, vector<16xf32>,
      %mul3A_50 = arith.constant 128 : i32
      %mul3A_51 = arith.muli %scan3A_25, %mul3A_50 : i32
      %add3A_52 = arith.constant 32 : i32
      %add3A_53 = arith.addi %mul3A_51, %add3A_52 : i32
      %swap3A_54 = arith.index_cast %add3A_53 : i32 to index
      %swap3A_55 = tpu.vector_load %arg8[%swap3A_54] {strides = array<i32>} : memref<10240xf32, #tpu.memory_space<vmem>>, vector<16xf32>,
      tpu.vector_store %arg8[%swap3A_54], %broadcast_in_dim3A_1 {strides = array<i32>} : memref<10240xf32, #tpu.memory_space<vmem>>, vector<16xf32>,
      %mul3A_56 = arith.constant 128 : i32
      %mul3A_57 = arith.muli %scan3A_25, %mul3A_56 : i32
      %add3A_58 = arith.constant 32 : i32
      %add3A_59 = arith.addi %mul3A_57, %add3A_58 : i32
      %swap3A_60 = arith.index_cast %add3A_59 : i32 to index
      %swap3A_61 = tpu.vector_load %arg9[%swap3A_60] {strides = array<i32>} : memref<10240xf32, #tpu.memory_space<vmem>>, vector<16xf32>,
      tpu.vector_store %arg9[%swap3A_60], %broadcast_in_dim3A_1 {strides = array<i32>} : memref<10240xf32, #tpu.memory_space<vmem>>, vector<16xf32>,
      %mul3A_62 = arith.constant 128 : i32
      %mul3A_63 = arith.muli %scan3A_25, %mul3A_62 : i32
      %add3A_64 = arith.constant 48 : i32
      %add3A_65 = arith.addi %mul3A_63, %add3A_64 : i32
      %swap3A_66 = arith.index_cast %add3A_65 : i32 to index
      %swap3A_67 = tpu.vector_load %arg8[%swap3A_66] {strides = array<i32>} : memref<10240xf32, #tpu.memory_space<vmem>>, vector<16xf32>,
      tpu.vector_store %arg8[%swap3A_66], %broadcast_in_dim3A_1 {strides = array<i32>} : memref<10240xf32, #tpu.memory_space<vmem>>, vector<16xf32>,
      %mul3A_68 = arith.constant 128 : i32
      %mul3A_69 = arith.muli %scan3A_25, %mul3A_68 : i32
      %add3A_70 = arith.constant 48 : i32
      %add3A_71 = arith.addi %mul3A_69, %add3A_70 : i32
      %swap3A_72 = arith.index_cast %add3A_71 : i32 to index
      %swap3A_73 = tpu.vector_load %arg9[%swap3A_72] {strides = array<i32>} : memref<10240xf32, #tpu.memory_space<vmem>>, vector<16xf32>,
      tpu.vector_store %arg9[%swap3A_72], %broadcast_in_dim3A_1 {strides = array<i32>} : memref<10240xf32, #tpu.memory_space<vmem>>, vector<16xf32>,
      %mul3A_74 = arith.constant 128 : i32
      %mul3A_75 = arith.muli %scan3A_25, %mul3A_74 : i32
      %add3A_76 = arith.constant 64 : i32
      %add3A_77 = arith.addi %mul3A_75, %add3A_76 : i32
      %swap3A_78 = arith.index_cast %add3A_77 : i32 to index
      %swap3A_79 = tpu.vector_load %arg8[%swap3A_78] {strides = array<i32>} : memref<10240xf32, #tpu.memory_space<vmem>>, vector<16xf32>,
      tpu.vector_store %arg8[%swap3A_78], %broadcast_in_dim3A_1 {strides = array<i32>} : memref<10240xf32, #tpu.memory_space<vmem>>, vector<16xf32>,
      %mul3A_80 = arith.constant 128 : i32
      %mul3A_81 = arith.muli %scan3A_25, %mul3A_80 : i32
      %add3A_82 = arith.constant 64 : i32
      %add3A_83 = arith.addi %mul3A_81, %add3A_82 : i32
      %swap3A_84 = arith.index_cast %add3A_83 : i32 to index
      %swap3A_85 = tpu.vector_load %arg9[%swap3A_84] {strides = array<i32>} : memref<10240xf32, #tpu.memory_space<vmem>>, vector<16xf32>,
      tpu.vector_store %arg9[%swap3A_84], %broadcast_in_dim3A_1 {strides = array<i32>} : memref<10240xf32, #tpu.memory_space<vmem>>, vector<16xf32>,
      %mul3A_86 = arith.constant 128 : i32
      %mul3A_87 = arith.muli %scan3A_25, %mul3A_86 : i32
      %add3A_88 = arith.constant 80 : i32
      %add3A_89 = arith.addi %mul3A_87, %add3A_88 : i32
      %swap3A_90 = arith.index_cast %add3A_89 : i32 to index
      %swap3A_91 = tpu.vector_load %arg8[%swap3A_90] {strides = array<i32>} : memref<10240xf32, #tpu.memory_space<vmem>>, vector<16xf32>,
      tpu.vector_store %arg8[%swap3A_90], %broadcast_in_dim3A_1 {strides = array<i32>} : memref<10240xf32, #tpu.memory_space<vmem>>, vector<16xf32>,
      %mul3A_92 = arith.constant 128 : i32
      %mul3A_93 = arith.muli %scan3A_25, %mul3A_92 : i32
      %add3A_94 = arith.constant 80 : i32
      %add3A_95 = arith.addi %mul3A_93, %add3A_94 : i32
      %swap3A_96 = arith.index_cast %add3A_95 : i32 to index
      %swap3A_97 = tpu.vector_load %arg9[%swap3A_96] {strides = array<i32>} : memref<10240xf32, #tpu.memory_space<vmem>>, vector<16xf32>,
      tpu.vector_store %arg9[%swap3A_96], %broadcast_in_dim3A_1 {strides = array<i32>} : memref<10240xf32, #tpu.memory_space<vmem>>, vector<16xf32>,
      %mul3A_98 = arith.constant 128 : i32
      %mul3A_99 = arith.muli %scan3A_25, %mul3A_98 : i32
      %add3A_100 = arith.constant 96 : i32
      %add3A_101 = arith.addi %mul3A_99, %add3A_100 : i32
      %swap3A_102 = arith.index_cast %add3A_101 : i32 to index
      %swap3A_103 = tpu.vector_load %arg8[%swap3A_102] {strides = array<i32>} : memref<10240xf32, #tpu.memory_space<vmem>>, vector<16xf32>,
      tpu.vector_store %arg8[%swap3A_102], %broadcast_in_dim3A_1 {strides = array<i32>} : memref<10240xf32, #tpu.memory_space<vmem>>, vector<16xf32>,
      %mul3A_104 = arith.constant 128 : i32
      %mul3A_105 = arith.muli %scan3A_25, %mul3A_104 : i32
      %add3A_106 = arith.constant 96 : i32
      %add3A_107 = arith.addi %mul3A_105, %add3A_106 : i32
      %swap3A_108 = arith.index_cast %add3A_107 : i32 to index
      %swap3A_109 = tpu.vector_load %arg9[%swap3A_108] {strides = array<i32>} : memref<10240xf32, #tpu.memory_space<vmem>>, vector<16xf32>,
      tpu.vector_store %arg9[%swap3A_108], %broadcast_in_dim3A_1 {strides = array<i32>} : memref<10240xf32, #tpu.memory_space<vmem>>, vector<16xf32>,
      %mul3A_110 = arith.constant 128 : i32
      %mul3A_111 = arith.muli %scan3A_25, %mul3A_110 : i32
      %add3A_112 = arith.constant 112 : i32
      %add3A_113 = arith.addi %mul3A_111, %add3A_112 : i32
      %swap3A_114 = arith.index_cast %add3A_113 : i32 to index
      %swap3A_115 = tpu.vector_load %arg8[%swap3A_114] {strides = array<i32>} : memref<10240xf32, #tpu.memory_space<vmem>>, vector<16xf32>,
      tpu.vector_store %arg8[%swap3A_114], %broadcast_in_dim3A_1 {strides = array<i32>} : memref<10240xf32, #tpu.memory_space<vmem>>, vector<16xf32>,
      %mul3A_116 = arith.constant 128 : i32
      %mul3A_117 = arith.muli %scan3A_25, %mul3A_116 : i32
      %add3A_118 = arith.constant 112 : i32
      %add3A_119 = arith.addi %mul3A_117, %add3A_118 : i32
      %swap3A_120 = arith.index_cast %add3A_119 : i32 to index
      %swap3A_121 = tpu.vector_load %arg9[%swap3A_120] {strides = array<i32>} : memref<10240xf32, #tpu.memory_space<vmem>>, vector<16xf32>,
      tpu.vector_store %arg9[%swap3A_120], %broadcast_in_dim3A_1 {strides = array<i32>} : memref<10240xf32, #tpu.memory_space<vmem>>, vector<16xf32>,
      %scan3A_122 = arith.constant 0 : i32
      scf.yield %scan3A_122 : i32
    }
    %scan3A_12 = arith.constant 80 : i32
    %dma_wait3A = tpu.memref_slice %arg2[%multiple_of3A] : memref<320000xi32, #tpu.memory_space<hbm>> -> memref<10000xi32, #tpu.memory_space<hbm>>
    %dma_wait3A_13 = tpu.memref_slice %arg2[%multiple_of3A] : memref<320000xi32, #tpu.memory_space<hbm>> -> memref<10000xi32, #tpu.memory_space<hbm>>
    tpu.wait_dma2 semaphore(%arg10 : memref<!tpu.dma_semaphore, #tpu.memory_space<semaphore_mem>>) src(%dma_wait3A_13 : memref<10000xi32, #tpu.memory_space<hbm>>) dst(%arg6 : memref<10000xi32, #tpu.memory_space<vmem>>)
    %dma_wait3A_14 = tpu.memref_slice %arg3[%multiple_of3A] : memref<320000xi32, #tpu.memory_space<hbm>> -> memref<10000xi32, #tpu.memory_space<hbm>>
    %dma_wait3A_15 = tpu.memref_slice %arg3[%multiple_of3A] : memref<320000xi32, #tpu.memory_space<hbm>> -> memref<10000xi32, #tpu.memory_space<hbm>>
    tpu.wait_dma2 semaphore(%arg11 : memref<!tpu.dma_semaphore, #tpu.memory_space<semaphore_mem>>) src(%dma_wait3A_15 : memref<10000xi32, #tpu.memory_space<hbm>>) dst(%arg7 : memref<10000xi32, #tpu.memory_space<vmem>>)
    %broadcast_in_dim3A_16 = arith.constant 1.000000e+00 : f32
    %broadcast_in_dim3A_17 = vector.broadcast %broadcast_in_dim3A_16 : f32 to vector<16xf32>
    %scan3A_18 = arith.constant 0 : i32
    %scan3A_19 = arith.constant 0 : i32
    %scan3A_20 = arith.constant 125 : i32
    %scan3A_21 = arith.addi %scan3A_19, %scan3A_20 : i32
    %scan3A_22 = arith.constant 1 : i32
    %scan3A_23 = scf.for %scan3A_25 = %scan3A_19 to %scan3A_21 step %scan3A_22 iter_args(%scan3A_26 = %scan3A_18) -> (i32)  : i32 {
      %mul3A_27 = arith.constant 80 : i32
      %mul3A_28 = arith.muli %scan3A_25, %mul3A_27 : i32
      %add3A_29 = arith.constant 0 : i32
      %add3A_30 = arith.addi %mul3A_28, %add3A_29 : i32
      %get3A = arith.index_cast %add3A_30 : i32 to index
      %get3A_31 = tpu.vector_load %arg6[%get3A] {strides = array<i32>} : memref<10000xi32, #tpu.memory_space<vmem>>, vector<16xi32>,
      %mul3A_32 = arith.constant 80 : i32
      %mul3A_33 = arith.muli %scan3A_25, %mul3A_32 : i32
      %add3A_34 = arith.constant 0 : i32
      %add3A_35 = arith.addi %mul3A_33, %add3A_34 : i32
      %get3A_36 = arith.index_cast %add3A_35 : i32 to index
      %get3A_37 = tpu.vector_load %arg7[%get3A_36] {strides = array<i32>} : memref<10000xi32, #tpu.memory_space<vmem>>, vector<16xi32>,
      tpu.vector_store_idx %arg8[%get3A_31], %broadcast_in_dim3A_17 {add = true} : memref<10240xf32, #tpu.memory_space<vmem>>[vector<16xi32>], vector<16xf32>,
      tpu.vector_store_idx %arg9[%get3A_37], %broadcast_in_dim3A_17 {add = true} : memref<10240xf32, #tpu.memory_space<vmem>>[vector<16xi32>], vector<16xf32>,
      %mul3A_38 = arith.constant 80 : i32
      %mul3A_39 = arith.muli %scan3A_25, %mul3A_38 : i32
      %add3A_40 = arith.constant 16 : i32
      %add3A_41 = arith.addi %mul3A_39, %add3A_40 : i32
      %get3A_42 = arith.index_cast %add3A_41 : i32 to index
      %get3A_43 = tpu.vector_load %arg6[%get3A_42] {strides = array<i32>} : memref<10000xi32, #tpu.memory_space<vmem>>, vector<16xi32>,
      %mul3A_44 = arith.constant 80 : i32
      %mul3A_45 = arith.muli %scan3A_25, %mul3A_44 : i32
      %add3A_46 = arith.constant 16 : i32
      %add3A_47 = arith.addi %mul3A_45, %add3A_46 : i32
      %get3A_48 = arith.index_cast %add3A_47 : i32 to index
      %get3A_49 = tpu.vector_load %arg7[%get3A_48] {strides = array<i32>} : memref<10000xi32, #tpu.memory_space<vmem>>, vector<16xi32>,
      tpu.vector_store_idx %arg8[%get3A_43], %broadcast_in_dim3A_17 {add = true} : memref<10240xf32, #tpu.memory_space<vmem>>[vector<16xi32>], vector<16xf32>,
      tpu.vector_store_idx %arg9[%get3A_49], %broadcast_in_dim3A_17 {add = true} : memref<10240xf32, #tpu.memory_space<vmem>>[vector<16xi32>], vector<16xf32>,
      %mul3A_50 = arith.constant 80 : i32
      %mul3A_51 = arith.muli %scan3A_25, %mul3A_50 : i32
      %add3A_52 = arith.constant 32 : i32
      %add3A_53 = arith.addi %mul3A_51, %add3A_52 : i32
      %get3A_54 = arith.index_cast %add3A_53 : i32 to index
      %get3A_55 = tpu.vector_load %arg6[%get3A_54] {strides = array<i32>} : memref<10000xi32, #tpu.memory_space<vmem>>, vector<16xi32>,
      %mul3A_56 = arith.constant 80 : i32
      %mul3A_57 = arith.muli %scan3A_25, %mul3A_56 : i32
      %add3A_58 = arith.constant 32 : i32
      %add3A_59 = arith.addi %mul3A_57, %add3A_58 : i32
      %get3A_60 = arith.index_cast %add3A_59 : i32 to index
      %get3A_61 = tpu.vector_load %arg7[%get3A_60] {strides = array<i32>} : memref<10000xi32, #tpu.memory_space<vmem>>, vector<16xi32>,
      tpu.vector_store_idx %arg8[%get3A_55], %broadcast_in_dim3A_17 {add = true} : memref<10240xf32, #tpu.memory_space<vmem>>[vector<16xi32>], vector<16xf32>,
      tpu.vector_store_idx %arg9[%get3A_61], %broadcast_in_dim3A_17 {add = true} : memref<10240xf32, #tpu.memory_space<vmem>>[vector<16xi32>], vector<16xf32>,
      %mul3A_62 = arith.constant 80 : i32
      %mul3A_63 = arith.muli %scan3A_25, %mul3A_62 : i32
      %add3A_64 = arith.constant 48 : i32
      %add3A_65 = arith.addi %mul3A_63, %add3A_64 : i32
      %get3A_66 = arith.index_cast %add3A_65 : i32 to index
      %get3A_67 = tpu.vector_load %arg6[%get3A_66] {strides = array<i32>} : memref<10000xi32, #tpu.memory_space<vmem>>, vector<16xi32>,
      %mul3A_68 = arith.constant 80 : i32
      %mul3A_69 = arith.muli %scan3A_25, %mul3A_68 : i32
      %add3A_70 = arith.constant 48 : i32
      %add3A_71 = arith.addi %mul3A_69, %add3A_70 : i32
      %get3A_72 = arith.index_cast %add3A_71 : i32 to index
      %get3A_73 = tpu.vector_load %arg7[%get3A_72] {strides = array<i32>} : memref<10000xi32, #tpu.memory_space<vmem>>, vector<16xi32>,
      tpu.vector_store_idx %arg8[%get3A_67], %broadcast_in_dim3A_17 {add = true} : memref<10240xf32, #tpu.memory_space<vmem>>[vector<16xi32>], vector<16xf32>,
      tpu.vector_store_idx %arg9[%get3A_73], %broadcast_in_dim3A_17 {add = true} : memref<10240xf32, #tpu.memory_space<vmem>>[vector<16xi32>], vector<16xf32>,
      %mul3A_74 = arith.constant 80 : i32
      %mul3A_75 = arith.muli %scan3A_25, %mul3A_74 : i32
      %add3A_76 = arith.constant 64 : i32
      %add3A_77 = arith.addi %mul3A_75, %add3A_76 : i32
      %get3A_78 = arith.index_cast %add3A_77 : i32 to index
      %get3A_79 = tpu.vector_load %arg6[%get3A_78] {strides = array<i32>} : memref<10000xi32, #tpu.memory_space<vmem>>, vector<16xi32>,
      %mul3A_80 = arith.constant 80 : i32
      %mul3A_81 = arith.muli %scan3A_25, %mul3A_80 : i32
      %add3A_82 = arith.constant 64 : i32
      %add3A_83 = arith.addi %mul3A_81, %add3A_82 : i32
      %get3A_84 = arith.index_cast %add3A_83 : i32 to index
      %get3A_85 = tpu.vector_load %arg7[%get3A_84] {strides = array<i32>} : memref<10000xi32, #tpu.memory_space<vmem>>, vector<16xi32>,
      tpu.vector_store_idx %arg8[%get3A_79], %broadcast_in_dim3A_17 {add = true} : memref<10240xf32, #tpu.memory_space<vmem>>[vector<16xi32>], vector<16xf32>,
      tpu.vector_store_idx %arg9[%get3A_85], %broadcast_in_dim3A_17 {add = true} : memref<10240xf32, #tpu.memory_space<vmem>>[vector<16xi32>], vector<16xf32>,
      %scan3A_86 = arith.constant 0 : i32
      scf.yield %scan3A_86 : i32
    }
    %scan3A_24 = arith.constant 125 : i32
    "tpu.region"() ({
      %run_scoped3A = tpu.sem_alloc : memref<!tpu.dma_semaphore, #tpu.memory_space<semaphore_mem>>
      %dma_start3A_25 = arith.constant 0 : i32
      %dma_start3A_26 = tpu.memref_slice %arg4[%add3A, %dma_start3A_25] : memref<32x10240xf32, #tpu.memory_space<hbm>> -> memref<1x10240xf32, #tpu.memory_space<hbm>>
      %dma_start3A_27 = tpu.memref_squeeze %dma_start3A_26 : memref<1x10240xf32, #tpu.memory_space<hbm>> -> memref<10240xf32, #tpu.memory_space<hbm>>
      %dma_start3A_28 = arith.constant 0 : i32
      %dma_start3A_29 = tpu.memref_slice %arg4[%add3A, %dma_start3A_28] : memref<32x10240xf32, #tpu.memory_space<hbm>> -> memref<1x10240xf32, #tpu.memory_space<hbm>>
      %dma_start3A_30 = tpu.memref_squeeze %dma_start3A_29 : memref<1x10240xf32, #tpu.memory_space<hbm>> -> memref<10240xf32, #tpu.memory_space<hbm>>
      tpu.enqueue_dma source(%arg8 : memref<10240xf32, #tpu.memory_space<vmem>>) target(%dma_start3A_30 : memref<10240xf32, #tpu.memory_space<hbm>>) target_semaphore(%run_scoped3A : memref<!tpu.dma_semaphore, #tpu.memory_space<semaphore_mem>>)
      %dma_wait3A_31 = arith.constant 0 : i32
      %dma_wait3A_32 = tpu.memref_slice %arg4[%add3A, %dma_wait3A_31] : memref<32x10240xf32, #tpu.memory_space<hbm>> -> memref<1x10240xf32, #tpu.memory_space<hbm>>
      %dma_wait3A_33 = tpu.memref_squeeze %dma_wait3A_32 : memref<1x10240xf32, #tpu.memory_space<hbm>> -> memref<10240xf32, #tpu.memory_space<hbm>>
      %dma_wait3A_34 = arith.constant 0 : i32
      %dma_wait3A_35 = tpu.memref_slice %arg4[%add3A, %dma_wait3A_34] : memref<32x10240xf32, #tpu.memory_space<hbm>> -> memref<1x10240xf32, #tpu.memory_space<hbm>>
      %dma_wait3A_36 = tpu.memref_squeeze %dma_wait3A_35 : memref<1x10240xf32, #tpu.memory_space<hbm>> -> memref<10240xf32, #tpu.memory_space<hbm>>
      tpu.wait_dma2 semaphore(%run_scoped3A : memref<!tpu.dma_semaphore, #tpu.memory_space<semaphore_mem>>) src(%arg8 : memref<10240xf32, #tpu.memory_space<vmem>>) dst(%dma_wait3A_36 : memref<10240xf32, #tpu.memory_space<hbm>>)
      tpu.yield
    }) : () -> ()
    "tpu.region"() ({
      %run_scoped3A = tpu.sem_alloc : memref<!tpu.dma_semaphore, #tpu.memory_space<semaphore_mem>>
      %dma_start3A_25 = arith.constant 0 : i32
      %dma_start3A_26 = tpu.memref_slice %arg5[%add3A, %dma_start3A_25] : memref<32x10240xf32, #tpu.memory_space<hbm>> -> memref<1x10240xf32, #tpu.memory_space<hbm>>
      %dma_start3A_27 = tpu.memref_squeeze %dma_start3A_26 : memref<1x10240xf32, #tpu.memory_space<hbm>> -> memref<10240xf32, #tpu.memory_space<hbm>>
      %dma_start3A_28 = arith.constant 0 : i32
      %dma_start3A_29 = tpu.memref_slice %arg5[%add3A, %dma_start3A_28] : memref<32x10240xf32, #tpu.memory_space<hbm>> -> memref<1x10240xf32, #tpu.memory_space<hbm>>
      %dma_start3A_30 = tpu.memref_squeeze %dma_start3A_29 : memref<1x10240xf32, #tpu.memory_space<hbm>> -> memref<10240xf32, #tpu.memory_space<hbm>>
      tpu.enqueue_dma source(%arg9 : memref<10240xf32, #tpu.memory_space<vmem>>) target(%dma_start3A_30 : memref<10240xf32, #tpu.memory_space<hbm>>) target_semaphore(%run_scoped3A : memref<!tpu.dma_semaphore, #tpu.memory_space<semaphore_mem>>)
      %dma_wait3A_31 = arith.constant 0 : i32
      %dma_wait3A_32 = tpu.memref_slice %arg5[%add3A, %dma_wait3A_31] : memref<32x10240xf32, #tpu.memory_space<hbm>> -> memref<1x10240xf32, #tpu.memory_space<hbm>>
      %dma_wait3A_33 = tpu.memref_squeeze %dma_wait3A_32 : memref<1x10240xf32, #tpu.memory_space<hbm>> -> memref<10240xf32, #tpu.memory_space<hbm>>
      %dma_wait3A_34 = arith.constant 0 : i32
      %dma_wait3A_35 = tpu.memref_slice %arg5[%add3A, %dma_wait3A_34] : memref<32x10240xf32, #tpu.memory_space<hbm>> -> memref<1x10240xf32, #tpu.memory_space<hbm>>
      %dma_wait3A_36 = tpu.memref_squeeze %dma_wait3A_35 : memref<1x10240xf32, #tpu.memory_space<hbm>> -> memref<10240xf32, #tpu.memory_space<hbm>>
      tpu.wait_dma2 semaphore(%run_scoped3A : memref<!tpu.dma_semaphore, #tpu.memory_space<semaphore_mem>>) src(%arg9 : memref<10240xf32, #tpu.memory_space<vmem>>) dst(%dma_wait3A_36 : memref<10240xf32, #tpu.memory_space<hbm>>)
      tpu.yield
    }) : () -> ()
    return
  }
}

#map = affine_map<(d0, d1) -> (0, 0)>
#map1 = affine_map<(d0, d1) -> (0)>
#map2 = affine_map<(d0, d1) -> (0, 0, 0)>
module attributes {stable_mosaic.version = 14 : i64} {
  func.func @_k3_body(%arg0: i32, %arg1: i32, %arg2: memref<10240x128xf32, #tpu.memory_space<hbm>>, %arg3: memref<320000xi32, #tpu.memory_space<hbm>>, %arg4: memref<320000xi32, #tpu.memory_space<hbm>>, %arg5: memref<10240xf32, #tpu.memory_space<hbm>>, %arg6: memref<2x10240x128xf32, #tpu.memory_space<hbm>>, %arg7: memref<32x10240xf32, #tpu.memory_space<hbm>>, %arg8: memref<64xi32, #tpu.memory_space<vmem>>, %arg9: memref<64xi32, #tpu.memory_space<vmem>>, %arg10: memref<64x128xf32, #tpu.memory_space<vmem>>, %arg11: memref<64xi32, #tpu.memory_space<vmem>>, %arg12: memref<64xi32, #tpu.memory_space<vmem>>, %arg13: memref<64x128xf32, #tpu.memory_space<vmem>>, %arg14: memref<64xi32, #tpu.memory_space<vmem>>, %arg15: memref<64xi32, #tpu.memory_space<vmem>>, %arg16: memref<64x128xf32, #tpu.memory_space<vmem>>, %arg17: memref<16xi32, #tpu.memory_space<vmem>>, %arg18: memref<16xi32, #tpu.memory_space<vmem>>, %arg19: memref<64xi32, #tpu.memory_space<vmem>>, %arg20: memref<64xi32, #tpu.memory_space<vmem>>, %arg21: memref<64xi32, #tpu.memory_space<vmem>>, %arg22: memref<10240xf32, #tpu.memory_space<vmem>>, %arg23: memref<10240xf32, #tpu.memory_space<vmem>>, %arg24: memref<10240x128xf32, #tpu.memory_space<vmem_shared>>, %arg25: memref<!tpu.dma_semaphore, #tpu.memory_space<semaphore_mem>>, %arg26: memref<!tpu.dma_semaphore, #tpu.memory_space<semaphore_mem>>, %arg27: memref<!tpu.dma_semaphore, #tpu.memory_space<semaphore_mem>>, %arg28: memref<!tpu.dma_semaphore, #tpu.memory_space<semaphore_mem>>, %arg29: memref<!tpu.dma_semaphore, #tpu.memory_space<semaphore_mem>>, %arg30: memref<!tpu.dma_semaphore, #tpu.memory_space<semaphore_mem>>, %arg31: memref<!tpu.dma_semaphore, #tpu.memory_space<semaphore_mem>>, %arg32: memref<!tpu.dma_semaphore, #tpu.memory_space<semaphore_mem>>, %arg33: memref<!tpu.dma_semaphore, #tpu.memory_space<semaphore_mem>>, %arg34: memref<!tpu.dma_semaphore, #tpu.memory_space<semaphore_mem>>) attributes {dimension_semantics = [#tpu.dimension_semantics<core_parallel>, #tpu.dimension_semantics<subcore_parallel>], iteration_bounds = array<i64: 2, 16>, scalar_prefetch = 0 : i64, scratch_operands = 27 : i64, tpu.core_type = #tpu.core_type<sc_vector_subcore>, window_params = [{transform_indices = #map}, {transform_indices = #map1}, {transform_indices = #map1}, {transform_indices = #map1}, {transform_indices = #map2}, {transform_indices = #map}]} {
    %mul3A = arith.constant 16 : i32
    %mul3A_0 = arith.muli %arg0, %mul3A : i32
    %add3A = arith.addi %mul3A_0, %arg1 : i32
    %broadcast_in_dim3A = arith.constant 0.000000e+00 : f32
    %broadcast_in_dim3A_1 = vector.broadcast %broadcast_in_dim3A : f32 to vector<16xf32>
    %mul3A_2 = arith.constant 10000 : i32
    %mul3A_3 = arith.muli %add3A, %mul3A_2 : i32
    %scan3A = arith.constant 0 : i32
    %scan3A_4 = arith.constant 0 : i32
    %scan3A_5 = arith.constant 80 : i32
    %scan3A_6 = arith.addi %scan3A_4, %scan3A_5 : i32
    %scan3A_7 = arith.constant 1 : i32
    %scan3A_8 = scf.for %scan3A_189 = %scan3A_4 to %scan3A_6 step %scan3A_7 iter_args(%scan3A_190 = %scan3A) -> (i32)  : i32 {
      %mul3A_191 = arith.constant 128 : i32
      %mul3A_192 = arith.muli %scan3A_189, %mul3A_191 : i32
      %add3A_193 = arith.constant 0 : i32
      %add3A_194 = arith.addi %mul3A_192, %add3A_193 : i32
      %swap3A = arith.index_cast %add3A_194 : i32 to index
      %swap3A_195 = tpu.vector_load %arg23[%swap3A] {strides = array<i32>} : memref<10240xf32, #tpu.memory_space<vmem>>, vector<16xf32>,
      tpu.vector_store %arg23[%swap3A], %broadcast_in_dim3A_1 {strides = array<i32>} : memref<10240xf32, #tpu.memory_space<vmem>>, vector<16xf32>,
      %mul3A_196 = arith.constant 128 : i32
      %mul3A_197 = arith.muli %scan3A_189, %mul3A_196 : i32
      %add3A_198 = arith.constant 16 : i32
      %add3A_199 = arith.addi %mul3A_197, %add3A_198 : i32
      %swap3A_200 = arith.index_cast %add3A_199 : i32 to index
      %swap3A_201 = tpu.vector_load %arg23[%swap3A_200] {strides = array<i32>} : memref<10240xf32, #tpu.memory_space<vmem>>, vector<16xf32>,
      tpu.vector_store %arg23[%swap3A_200], %broadcast_in_dim3A_1 {strides = array<i32>} : memref<10240xf32, #tpu.memory_space<vmem>>, vector<16xf32>,
      %mul3A_202 = arith.constant 128 : i32
      %mul3A_203 = arith.muli %scan3A_189, %mul3A_202 : i32
      %add3A_204 = arith.constant 32 : i32
      %add3A_205 = arith.addi %mul3A_203, %add3A_204 : i32
      %swap3A_206 = arith.index_cast %add3A_205 : i32 to index
      %swap3A_207 = tpu.vector_load %arg23[%swap3A_206] {strides = array<i32>} : memref<10240xf32, #tpu.memory_space<vmem>>, vector<16xf32>,
      tpu.vector_store %arg23[%swap3A_206], %broadcast_in_dim3A_1 {strides = array<i32>} : memref<10240xf32, #tpu.memory_space<vmem>>, vector<16xf32>,
      %mul3A_208 = arith.constant 128 : i32
      %mul3A_209 = arith.muli %scan3A_189, %mul3A_208 : i32
      %add3A_210 = arith.constant 48 : i32
      %add3A_211 = arith.addi %mul3A_209, %add3A_210 : i32
      %swap3A_212 = arith.index_cast %add3A_211 : i32 to index
      %swap3A_213 = tpu.vector_load %arg23[%swap3A_212] {strides = array<i32>} : memref<10240xf32, #tpu.memory_space<vmem>>, vector<16xf32>,
      tpu.vector_store %arg23[%swap3A_212], %broadcast_in_dim3A_1 {strides = array<i32>} : memref<10240xf32, #tpu.memory_space<vmem>>, vector<16xf32>,
      %mul3A_214 = arith.constant 128 : i32
      %mul3A_215 = arith.muli %scan3A_189, %mul3A_214 : i32
      %add3A_216 = arith.constant 64 : i32
      %add3A_217 = arith.addi %mul3A_215, %add3A_216 : i32
      %swap3A_218 = arith.index_cast %add3A_217 : i32 to index
      %swap3A_219 = tpu.vector_load %arg23[%swap3A_218] {strides = array<i32>} : memref<10240xf32, #tpu.memory_space<vmem>>, vector<16xf32>,
      tpu.vector_store %arg23[%swap3A_218], %broadcast_in_dim3A_1 {strides = array<i32>} : memref<10240xf32, #tpu.memory_space<vmem>>, vector<16xf32>,
      %mul3A_220 = arith.constant 128 : i32
      %mul3A_221 = arith.muli %scan3A_189, %mul3A_220 : i32
      %add3A_222 = arith.constant 80 : i32
      %add3A_223 = arith.addi %mul3A_221, %add3A_222 : i32
      %swap3A_224 = arith.index_cast %add3A_223 : i32 to index
      %swap3A_225 = tpu.vector_load %arg23[%swap3A_224] {strides = array<i32>} : memref<10240xf32, #tpu.memory_space<vmem>>, vector<16xf32>,
      tpu.vector_store %arg23[%swap3A_224], %broadcast_in_dim3A_1 {strides = array<i32>} : memref<10240xf32, #tpu.memory_space<vmem>>, vector<16xf32>,
      %mul3A_226 = arith.constant 128 : i32
      %mul3A_227 = arith.muli %scan3A_189, %mul3A_226 : i32
      %add3A_228 = arith.constant 96 : i32
      %add3A_229 = arith.addi %mul3A_227, %add3A_228 : i32
      %swap3A_230 = arith.index_cast %add3A_229 : i32 to index
      %swap3A_231 = tpu.vector_load %arg23[%swap3A_230] {strides = array<i32>} : memref<10240xf32, #tpu.memory_space<vmem>>, vector<16xf32>,
      tpu.vector_store %arg23[%swap3A_230], %broadcast_in_dim3A_1 {strides = array<i32>} : memref<10240xf32, #tpu.memory_space<vmem>>, vector<16xf32>,
      %mul3A_232 = arith.constant 128 : i32
      %mul3A_233 = arith.muli %scan3A_189, %mul3A_232 : i32
      %add3A_234 = arith.constant 112 : i32
      %add3A_235 = arith.addi %mul3A_233, %add3A_234 : i32
      %swap3A_236 = arith.index_cast %add3A_235 : i32 to index
      %swap3A_237 = tpu.vector_load %arg23[%swap3A_236] {strides = array<i32>} : memref<10240xf32, #tpu.memory_space<vmem>>, vector<16xf32>,
      tpu.vector_store %arg23[%swap3A_236], %broadcast_in_dim3A_1 {strides = array<i32>} : memref<10240xf32, #tpu.memory_space<vmem>>, vector<16xf32>,
      %scan3A_238 = arith.constant 0 : i32
      scf.yield %scan3A_238 : i32
    }
    %scan3A_9 = arith.constant 80 : i32
    %scan3A_10 = arith.constant 0 : i32
    %scan3A_11 = arith.constant 0 : i32
    %scan3A_12 = arith.constant 64 : i32
    %scan3A_13 = arith.addi %scan3A_11, %scan3A_12 : i32
    %scan3A_14 = arith.constant 1 : i32
    %scan3A_15 = scf.for %scan3A_189 = %scan3A_11 to %scan3A_13 step %scan3A_14 iter_args(%scan3A_190 = %scan3A_10) -> (i32)  : i32 {
      %swap3A = arith.index_cast %scan3A_189 : i32 to index
      %swap3A_191 = arith.constant 0 : index
      %swap3A_192 = tpu.vector_load %arg10[%swap3A, %swap3A_191] {strides = array<i32>} : memref<64x128xf32, #tpu.memory_space<vmem>>, vector<16xf32>,
      tpu.vector_store %arg10[%swap3A, %swap3A_191], %broadcast_in_dim3A_1 {strides = array<i32>} : memref<64x128xf32, #tpu.memory_space<vmem>>, vector<16xf32>,
      %swap3A_193 = arith.index_cast %scan3A_189 : i32 to index
      %swap3A_194 = arith.constant 16 : index
      %swap3A_195 = tpu.vector_load %arg10[%swap3A_193, %swap3A_194] {strides = array<i32>} : memref<64x128xf32, #tpu.memory_space<vmem>>, vector<16xf32>,
      tpu.vector_store %arg10[%swap3A_193, %swap3A_194], %broadcast_in_dim3A_1 {strides = array<i32>} : memref<64x128xf32, #tpu.memory_space<vmem>>, vector<16xf32>,
      %swap3A_196 = arith.index_cast %scan3A_189 : i32 to index
      %swap3A_197 = arith.constant 32 : index
      %swap3A_198 = tpu.vector_load %arg10[%swap3A_196, %swap3A_197] {strides = array<i32>} : memref<64x128xf32, #tpu.memory_space<vmem>>, vector<16xf32>,
      tpu.vector_store %arg10[%swap3A_196, %swap3A_197], %broadcast_in_dim3A_1 {strides = array<i32>} : memref<64x128xf32, #tpu.memory_space<vmem>>, vector<16xf32>,
      %swap3A_199 = arith.index_cast %scan3A_189 : i32 to index
      %swap3A_200 = arith.constant 48 : index
      %swap3A_201 = tpu.vector_load %arg10[%swap3A_199, %swap3A_200] {strides = array<i32>} : memref<64x128xf32, #tpu.memory_space<vmem>>, vector<16xf32>,
      tpu.vector_store %arg10[%swap3A_199, %swap3A_200], %broadcast_in_dim3A_1 {strides = array<i32>} : memref<64x128xf32, #tpu.memory_space<vmem>>, vector<16xf32>,
      %swap3A_202 = arith.index_cast %scan3A_189 : i32 to index
      %swap3A_203 = arith.constant 64 : index
      %swap3A_204 = tpu.vector_load %arg10[%swap3A_202, %swap3A_203] {strides = array<i32>} : memref<64x128xf32, #tpu.memory_space<vmem>>, vector<16xf32>,
      tpu.vector_store %arg10[%swap3A_202, %swap3A_203], %broadcast_in_dim3A_1 {strides = array<i32>} : memref<64x128xf32, #tpu.memory_space<vmem>>, vector<16xf32>,
      %swap3A_205 = arith.index_cast %scan3A_189 : i32 to index
      %swap3A_206 = arith.constant 80 : index
      %swap3A_207 = tpu.vector_load %arg10[%swap3A_205, %swap3A_206] {strides = array<i32>} : memref<64x128xf32, #tpu.memory_space<vmem>>, vector<16xf32>,
      tpu.vector_store %arg10[%swap3A_205, %swap3A_206], %broadcast_in_dim3A_1 {strides = array<i32>} : memref<64x128xf32, #tpu.memory_space<vmem>>, vector<16xf32>,
      %swap3A_208 = arith.index_cast %scan3A_189 : i32 to index
      %swap3A_209 = arith.constant 96 : index
      %swap3A_210 = tpu.vector_load %arg10[%swap3A_208, %swap3A_209] {strides = array<i32>} : memref<64x128xf32, #tpu.memory_space<vmem>>, vector<16xf32>,
      tpu.vector_store %arg10[%swap3A_208, %swap3A_209], %broadcast_in_dim3A_1 {strides = array<i32>} : memref<64x128xf32, #tpu.memory_space<vmem>>, vector<16xf32>,
      %swap3A_211 = arith.index_cast %scan3A_189 : i32 to index
      %swap3A_212 = arith.constant 112 : index
      %swap3A_213 = tpu.vector_load %arg10[%swap3A_211, %swap3A_212] {strides = array<i32>} : memref<64x128xf32, #tpu.memory_space<vmem>>, vector<16xf32>,
      tpu.vector_store %arg10[%swap3A_211, %swap3A_212], %broadcast_in_dim3A_1 {strides = array<i32>} : memref<64x128xf32, #tpu.memory_space<vmem>>, vector<16xf32>,
      %scan3A_214 = arith.constant 0 : i32
      scf.yield %scan3A_214 : i32
    }
    %scan3A_16 = arith.constant 64 : i32
    %mul3A_17 = arith.constant 640 : i32
    %mul3A_18 = arith.muli %arg1, %mul3A_17 : i32
    %multiple_of3A = tpu.assume_multiple %mul3A_18, 8 : i32
    %add3A_19 = arith.constant 0 : i32
    %add3A_20 = arith.addi %multiple_of3A, %add3A_19 : i32
    %dma_start3A = arith.constant 0 : i32
    %dma_start3A_21 = tpu.memref_slice %arg24[%add3A_20, %dma_start3A] : memref<10240x128xf32, #tpu.memory_space<vmem_shared>> -> memref<64x128xf32, #tpu.memory_space<vmem_shared>>
    %dma_start3A_22 = arith.constant 0 : i32
    %dma_start3A_23 = tpu.memref_slice %arg24[%add3A_20, %dma_start3A_22] : memref<10240x128xf32, #tpu.memory_space<vmem_shared>> -> memref<64x128xf32, #tpu.memory_space<vmem_shared>>
    tpu.enqueue_dma source(%arg10 : memref<64x128xf32, #tpu.memory_space<vmem>>) target(%dma_start3A_23 : memref<64x128xf32, #tpu.memory_space<vmem_shared>>) target_semaphore(%arg28 : memref<!tpu.dma_semaphore, #tpu.memory_space<semaphore_mem>>)
    %add3A_24 = arith.constant 64 : i32
    %add3A_25 = arith.addi %multiple_of3A, %add3A_24 : i32
    %dma_start3A_26 = arith.constant 0 : i32
    %dma_start3A_27 = tpu.memref_slice %arg24[%add3A_25, %dma_start3A_26] : memref<10240x128xf32, #tpu.memory_space<vmem_shared>> -> memref<64x128xf32, #tpu.memory_space<vmem_shared>>
    %dma_start3A_28 = arith.constant 0 : i32
    %dma_start3A_29 = tpu.memref_slice %arg24[%add3A_25, %dma_start3A_28] : memref<10240x128xf32, #tpu.memory_space<vmem_shared>> -> memref<64x128xf32, #tpu.memory_space<vmem_shared>>
    tpu.enqueue_dma source(%arg10 : memref<64x128xf32, #tpu.memory_space<vmem>>) target(%dma_start3A_29 : memref<64x128xf32, #tpu.memory_space<vmem_shared>>) target_semaphore(%arg28 : memref<!tpu.dma_semaphore, #tpu.memory_space<semaphore_mem>>)
    %add3A_30 = arith.constant 128 : i32
    %add3A_31 = arith.addi %multiple_of3A, %add3A_30 : i32
    %dma_start3A_32 = arith.constant 0 : i32
    %dma_start3A_33 = tpu.memref_slice %arg24[%add3A_31, %dma_start3A_32] : memref<10240x128xf32, #tpu.memory_space<vmem_shared>> -> memref<64x128xf32, #tpu.memory_space<vmem_shared>>
    %dma_start3A_34 = arith.constant 0 : i32
    %dma_start3A_35 = tpu.memref_slice %arg24[%add3A_31, %dma_start3A_34] : memref<10240x128xf32, #tpu.memory_space<vmem_shared>> -> memref<64x128xf32, #tpu.memory_space<vmem_shared>>
    tpu.enqueue_dma source(%arg10 : memref<64x128xf32, #tpu.memory_space<vmem>>) target(%dma_start3A_35 : memref<64x128xf32, #tpu.memory_space<vmem_shared>>) target_semaphore(%arg28 : memref<!tpu.dma_semaphore, #tpu.memory_space<semaphore_mem>>)
    %add3A_36 = arith.constant 192 : i32
    %add3A_37 = arith.addi %multiple_of3A, %add3A_36 : i32
    %dma_start3A_38 = arith.constant 0 : i32
    %dma_start3A_39 = tpu.memref_slice %arg24[%add3A_37, %dma_start3A_38] : memref<10240x128xf32, #tpu.memory_space<vmem_shared>> -> memref<64x128xf32, #tpu.memory_space<vmem_shared>>
    %dma_start3A_40 = arith.constant 0 : i32
    %dma_start3A_41 = tpu.memref_slice %arg24[%add3A_37, %dma_start3A_40] : memref<10240x128xf32, #tpu.memory_space<vmem_shared>> -> memref<64x128xf32, #tpu.memory_space<vmem_shared>>
    tpu.enqueue_dma source(%arg10 : memref<64x128xf32, #tpu.memory_space<vmem>>) target(%dma_start3A_41 : memref<64x128xf32, #tpu.memory_space<vmem_shared>>) target_semaphore(%arg28 : memref<!tpu.dma_semaphore, #tpu.memory_space<semaphore_mem>>)
    %add3A_42 = arith.constant 256 : i32
    %add3A_43 = arith.addi %multiple_of3A, %add3A_42 : i32
    %dma_start3A_44 = arith.constant 0 : i32
    %dma_start3A_45 = tpu.memref_slice %arg24[%add3A_43, %dma_start3A_44] : memref<10240x128xf32, #tpu.memory_space<vmem_shared>> -> memref<64x128xf32, #tpu.memory_space<vmem_shared>>
    %dma_start3A_46 = arith.constant 0 : i32
    %dma_start3A_47 = tpu.memref_slice %arg24[%add3A_43, %dma_start3A_46] : memref<10240x128xf32, #tpu.memory_space<vmem_shared>> -> memref<64x128xf32, #tpu.memory_space<vmem_shared>>
    tpu.enqueue_dma source(%arg10 : memref<64x128xf32, #tpu.memory_space<vmem>>) target(%dma_start3A_47 : memref<64x128xf32, #tpu.memory_space<vmem_shared>>) target_semaphore(%arg28 : memref<!tpu.dma_semaphore, #tpu.memory_space<semaphore_mem>>)
    %add3A_48 = arith.constant 320 : i32
    %add3A_49 = arith.addi %multiple_of3A, %add3A_48 : i32
    %dma_start3A_50 = arith.constant 0 : i32
    %dma_start3A_51 = tpu.memref_slice %arg24[%add3A_49, %dma_start3A_50] : memref<10240x128xf32, #tpu.memory_space<vmem_shared>> -> memref<64x128xf32, #tpu.memory_space<vmem_shared>>
    %dma_start3A_52 = arith.constant 0 : i32
    %dma_start3A_53 = tpu.memref_slice %arg24[%add3A_49, %dma_start3A_52] : memref<10240x128xf32, #tpu.memory_space<vmem_shared>> -> memref<64x128xf32, #tpu.memory_space<vmem_shared>>
    tpu.enqueue_dma source(%arg10 : memref<64x128xf32, #tpu.memory_space<vmem>>) target(%dma_start3A_53 : memref<64x128xf32, #tpu.memory_space<vmem_shared>>) target_semaphore(%arg28 : memref<!tpu.dma_semaphore, #tpu.memory_space<semaphore_mem>>)
    %add3A_54 = arith.constant 384 : i32
    %add3A_55 = arith.addi %multiple_of3A, %add3A_54 : i32
    %dma_start3A_56 = arith.constant 0 : i32
    %dma_start3A_57 = tpu.memref_slice %arg24[%add3A_55, %dma_start3A_56] : memref<10240x128xf32, #tpu.memory_space<vmem_shared>> -> memref<64x128xf32, #tpu.memory_space<vmem_shared>>
    %dma_start3A_58 = arith.constant 0 : i32
    %dma_start3A_59 = tpu.memref_slice %arg24[%add3A_55, %dma_start3A_58] : memref<10240x128xf32, #tpu.memory_space<vmem_shared>> -> memref<64x128xf32, #tpu.memory_space<vmem_shared>>
    tpu.enqueue_dma source(%arg10 : memref<64x128xf32, #tpu.memory_space<vmem>>) target(%dma_start3A_59 : memref<64x128xf32, #tpu.memory_space<vmem_shared>>) target_semaphore(%arg28 : memref<!tpu.dma_semaphore, #tpu.memory_space<semaphore_mem>>)
    %add3A_60 = arith.constant 448 : i32
    %add3A_61 = arith.addi %multiple_of3A, %add3A_60 : i32
    %dma_start3A_62 = arith.constant 0 : i32
    %dma_start3A_63 = tpu.memref_slice %arg24[%add3A_61, %dma_start3A_62] : memref<10240x128xf32, #tpu.memory_space<vmem_shared>> -> memref<64x128xf32, #tpu.memory_space<vmem_shared>>
    %dma_start3A_64 = arith.constant 0 : i32
    %dma_start3A_65 = tpu.memref_slice %arg24[%add3A_61, %dma_start3A_64] : memref<10240x128xf32, #tpu.memory_space<vmem_shared>> -> memref<64x128xf32, #tpu.memory_space<vmem_shared>>
    tpu.enqueue_dma source(%arg10 : memref<64x128xf32, #tpu.memory_space<vmem>>) target(%dma_start3A_65 : memref<64x128xf32, #tpu.memory_space<vmem_shared>>) target_semaphore(%arg28 : memref<!tpu.dma_semaphore, #tpu.memory_space<semaphore_mem>>)
    %add3A_66 = arith.constant 512 : i32
    %add3A_67 = arith.addi %multiple_of3A, %add3A_66 : i32
    %dma_start3A_68 = arith.constant 0 : i32
    %dma_start3A_69 = tpu.memref_slice %arg24[%add3A_67, %dma_start3A_68] : memref<10240x128xf32, #tpu.memory_space<vmem_shared>> -> memref<64x128xf32, #tpu.memory_space<vmem_shared>>
    %dma_start3A_70 = arith.constant 0 : i32
    %dma_start3A_71 = tpu.memref_slice %arg24[%add3A_67, %dma_start3A_70] : memref<10240x128xf32, #tpu.memory_space<vmem_shared>> -> memref<64x128xf32, #tpu.memory_space<vmem_shared>>
    tpu.enqueue_dma source(%arg10 : memref<64x128xf32, #tpu.memory_space<vmem>>) target(%dma_start3A_71 : memref<64x128xf32, #tpu.memory_space<vmem_shared>>) target_semaphore(%arg28 : memref<!tpu.dma_semaphore, #tpu.memory_space<semaphore_mem>>)
    %add3A_72 = arith.constant 576 : i32
    %add3A_73 = arith.addi %multiple_of3A, %add3A_72 : i32
    %dma_start3A_74 = arith.constant 0 : i32
    %dma_start3A_75 = tpu.memref_slice %arg24[%add3A_73, %dma_start3A_74] : memref<10240x128xf32, #tpu.memory_space<vmem_shared>> -> memref<64x128xf32, #tpu.memory_space<vmem_shared>>
    %dma_start3A_76 = arith.constant 0 : i32
    %dma_start3A_77 = tpu.memref_slice %arg24[%add3A_73, %dma_start3A_76] : memref<10240x128xf32, #tpu.memory_space<vmem_shared>> -> memref<64x128xf32, #tpu.memory_space<vmem_shared>>
    tpu.enqueue_dma source(%arg10 : memref<64x128xf32, #tpu.memory_space<vmem>>) target(%dma_start3A_77 : memref<64x128xf32, #tpu.memory_space<vmem_shared>>) target_semaphore(%arg28 : memref<!tpu.dma_semaphore, #tpu.memory_space<semaphore_mem>>)
    "tpu.region"() ({
      %run_scoped3A = tpu.sem_alloc : memref<!tpu.dma_semaphore, #tpu.memory_space<semaphore_mem>>
      tpu.enqueue_dma source(%arg5 : memref<10240xf32, #tpu.memory_space<hbm>>) target(%arg22 : memref<10240xf32, #tpu.memory_space<vmem>>) target_semaphore(%run_scoped3A : memref<!tpu.dma_semaphore, #tpu.memory_space<semaphore_mem>>)
      tpu.wait_dma2 semaphore(%run_scoped3A : memref<!tpu.dma_semaphore, #tpu.memory_space<semaphore_mem>>) src(%arg5 : memref<10240xf32, #tpu.memory_space<hbm>>) dst(%arg22 : memref<10240xf32, #tpu.memory_space<vmem>>)
      tpu.yield
    }) : () -> ()
    %dma_wait3A = arith.constant 0 : i32
    %dma_wait3A_78 = tpu.memref_slice %arg24[%multiple_of3A, %dma_wait3A] : memref<10240x128xf32, #tpu.memory_space<vmem_shared>> -> memref<64x128xf32, #tpu.memory_space<vmem_shared>>
    %dma_wait3A_79 = arith.constant 0 : i32
    %dma_wait3A_80 = tpu.memref_slice %arg24[%multiple_of3A, %dma_wait3A_79] : memref<10240x128xf32, #tpu.memory_space<vmem_shared>> -> memref<64x128xf32, #tpu.memory_space<vmem_shared>>
    tpu.wait_dma2 semaphore(%arg28 : memref<!tpu.dma_semaphore, #tpu.memory_space<semaphore_mem>>) src(%arg10 : memref<64x128xf32, #tpu.memory_space<vmem>>) dst(%dma_wait3A_80 : memref<64x128xf32, #tpu.memory_space<vmem_shared>>)
    %dma_wait3A_81 = arith.constant 0 : i32
    %dma_wait3A_82 = tpu.memref_slice %arg24[%multiple_of3A, %dma_wait3A_81] : memref<10240x128xf32, #tpu.memory_space<vmem_shared>> -> memref<64x128xf32, #tpu.memory_space<vmem_shared>>
    %dma_wait3A_83 = arith.constant 0 : i32
    %dma_wait3A_84 = tpu.memref_slice %arg24[%multiple_of3A, %dma_wait3A_83] : memref<10240x128xf32, #tpu.memory_space<vmem_shared>> -> memref<64x128xf32, #tpu.memory_space<vmem_shared>>
    tpu.wait_dma2 semaphore(%arg28 : memref<!tpu.dma_semaphore, #tpu.memory_space<semaphore_mem>>) src(%arg10 : memref<64x128xf32, #tpu.memory_space<vmem>>) dst(%dma_wait3A_84 : memref<64x128xf32, #tpu.memory_space<vmem_shared>>)
    %dma_wait3A_85 = arith.constant 0 : i32
    %dma_wait3A_86 = tpu.memref_slice %arg24[%multiple_of3A, %dma_wait3A_85] : memref<10240x128xf32, #tpu.memory_space<vmem_shared>> -> memref<64x128xf32, #tpu.memory_space<vmem_shared>>
    %dma_wait3A_87 = arith.constant 0 : i32
    %dma_wait3A_88 = tpu.memref_slice %arg24[%multiple_of3A, %dma_wait3A_87] : memref<10240x128xf32, #tpu.memory_space<vmem_shared>> -> memref<64x128xf32, #tpu.memory_space<vmem_shared>>
    tpu.wait_dma2 semaphore(%arg28 : memref<!tpu.dma_semaphore, #tpu.memory_space<semaphore_mem>>) src(%arg10 : memref<64x128xf32, #tpu.memory_space<vmem>>) dst(%dma_wait3A_88 : memref<64x128xf32, #tpu.memory_space<vmem_shared>>)
    %dma_wait3A_89 = arith.constant 0 : i32
    %dma_wait3A_90 = tpu.memref_slice %arg24[%multiple_of3A, %dma_wait3A_89] : memref<10240x128xf32, #tpu.memory_space<vmem_shared>> -> memref<64x128xf32, #tpu.memory_space<vmem_shared>>
    %dma_wait3A_91 = arith.constant 0 : i32
    %dma_wait3A_92 = tpu.memref_slice %arg24[%multiple_of3A, %dma_wait3A_91] : memref<10240x128xf32, #tpu.memory_space<vmem_shared>> -> memref<64x128xf32, #tpu.memory_space<vmem_shared>>
    tpu.wait_dma2 semaphore(%arg28 : memref<!tpu.dma_semaphore, #tpu.memory_space<semaphore_mem>>) src(%arg10 : memref<64x128xf32, #tpu.memory_space<vmem>>) dst(%dma_wait3A_92 : memref<64x128xf32, #tpu.memory_space<vmem_shared>>)
    %dma_wait3A_93 = arith.constant 0 : i32
    %dma_wait3A_94 = tpu.memref_slice %arg24[%multiple_of3A, %dma_wait3A_93] : memref<10240x128xf32, #tpu.memory_space<vmem_shared>> -> memref<64x128xf32, #tpu.memory_space<vmem_shared>>
    %dma_wait3A_95 = arith.constant 0 : i32
    %dma_wait3A_96 = tpu.memref_slice %arg24[%multiple_of3A, %dma_wait3A_95] : memref<10240x128xf32, #tpu.memory_space<vmem_shared>> -> memref<64x128xf32, #tpu.memory_space<vmem_shared>>
    tpu.wait_dma2 semaphore(%arg28 : memref<!tpu.dma_semaphore, #tpu.memory_space<semaphore_mem>>) src(%arg10 : memref<64x128xf32, #tpu.memory_space<vmem>>) dst(%dma_wait3A_96 : memref<64x128xf32, #tpu.memory_space<vmem_shared>>)
    %dma_wait3A_97 = arith.constant 0 : i32
    %dma_wait3A_98 = tpu.memref_slice %arg24[%multiple_of3A, %dma_wait3A_97] : memref<10240x128xf32, #tpu.memory_space<vmem_shared>> -> memref<64x128xf32, #tpu.memory_space<vmem_shared>>
    %dma_wait3A_99 = arith.constant 0 : i32
    %dma_wait3A_100 = tpu.memref_slice %arg24[%multiple_of3A, %dma_wait3A_99] : memref<10240x128xf32, #tpu.memory_space<vmem_shared>> -> memref<64x128xf32, #tpu.memory_space<vmem_shared>>
    tpu.wait_dma2 semaphore(%arg28 : memref<!tpu.dma_semaphore, #tpu.memory_space<semaphore_mem>>) src(%arg10 : memref<64x128xf32, #tpu.memory_space<vmem>>) dst(%dma_wait3A_100 : memref<64x128xf32, #tpu.memory_space<vmem_shared>>)
    %dma_wait3A_101 = arith.constant 0 : i32
    %dma_wait3A_102 = tpu.memref_slice %arg24[%multiple_of3A, %dma_wait3A_101] : memref<10240x128xf32, #tpu.memory_space<vmem_shared>> -> memref<64x128xf32, #tpu.memory_space<vmem_shared>>
    %dma_wait3A_103 = arith.constant 0 : i32
    %dma_wait3A_104 = tpu.memref_slice %arg24[%multiple_of3A, %dma_wait3A_103] : memref<10240x128xf32, #tpu.memory_space<vmem_shared>> -> memref<64x128xf32, #tpu.memory_space<vmem_shared>>
    tpu.wait_dma2 semaphore(%arg28 : memref<!tpu.dma_semaphore, #tpu.memory_space<semaphore_mem>>) src(%arg10 : memref<64x128xf32, #tpu.memory_space<vmem>>) dst(%dma_wait3A_104 : memref<64x128xf32, #tpu.memory_space<vmem_shared>>)
    %dma_wait3A_105 = arith.constant 0 : i32
    %dma_wait3A_106 = tpu.memref_slice %arg24[%multiple_of3A, %dma_wait3A_105] : memref<10240x128xf32, #tpu.memory_space<vmem_shared>> -> memref<64x128xf32, #tpu.memory_space<vmem_shared>>
    %dma_wait3A_107 = arith.constant 0 : i32
    %dma_wait3A_108 = tpu.memref_slice %arg24[%multiple_of3A, %dma_wait3A_107] : memref<10240x128xf32, #tpu.memory_space<vmem_shared>> -> memref<64x128xf32, #tpu.memory_space<vmem_shared>>
    tpu.wait_dma2 semaphore(%arg28 : memref<!tpu.dma_semaphore, #tpu.memory_space<semaphore_mem>>) src(%arg10 : memref<64x128xf32, #tpu.memory_space<vmem>>) dst(%dma_wait3A_108 : memref<64x128xf32, #tpu.memory_space<vmem_shared>>)
    %dma_wait3A_109 = arith.constant 0 : i32
    %dma_wait3A_110 = tpu.memref_slice %arg24[%multiple_of3A, %dma_wait3A_109] : memref<10240x128xf32, #tpu.memory_space<vmem_shared>> -> memref<64x128xf32, #tpu.memory_space<vmem_shared>>
    %dma_wait3A_111 = arith.constant 0 : i32
    %dma_wait3A_112 = tpu.memref_slice %arg24[%multiple_of3A, %dma_wait3A_111] : memref<10240x128xf32, #tpu.memory_space<vmem_shared>> -> memref<64x128xf32, #tpu.memory_space<vmem_shared>>
    tpu.wait_dma2 semaphore(%arg28 : memref<!tpu.dma_semaphore, #tpu.memory_space<semaphore_mem>>) src(%arg10 : memref<64x128xf32, #tpu.memory_space<vmem>>) dst(%dma_wait3A_112 : memref<64x128xf32, #tpu.memory_space<vmem_shared>>)
    %dma_wait3A_113 = arith.constant 0 : i32
    %dma_wait3A_114 = tpu.memref_slice %arg24[%multiple_of3A, %dma_wait3A_113] : memref<10240x128xf32, #tpu.memory_space<vmem_shared>> -> memref<64x128xf32, #tpu.memory_space<vmem_shared>>
    %dma_wait3A_115 = arith.constant 0 : i32
    %dma_wait3A_116 = tpu.memref_slice %arg24[%multiple_of3A, %dma_wait3A_115] : memref<10240x128xf32, #tpu.memory_space<vmem_shared>> -> memref<64x128xf32, #tpu.memory_space<vmem_shared>>
    tpu.wait_dma2 semaphore(%arg28 : memref<!tpu.dma_semaphore, #tpu.memory_space<semaphore_mem>>) src(%arg10 : memref<64x128xf32, #tpu.memory_space<vmem>>) dst(%dma_wait3A_116 : memref<64x128xf32, #tpu.memory_space<vmem_shared>>)
    %add3A_117 = arith.constant 0 : i32
    %add3A_118 = arith.addi %mul3A_3, %add3A_117 : i32
    %multiple_of3A_119 = tpu.assume_multiple %add3A_118, 8 : i32
    %dma_start3A_120 = tpu.memref_slice %arg3[%multiple_of3A_119] : memref<320000xi32, #tpu.memory_space<hbm>> -> memref<64xi32, #tpu.memory_space<hbm>>
    %dma_start3A_121 = tpu.memref_slice %arg3[%multiple_of3A_119] : memref<320000xi32, #tpu.memory_space<hbm>> -> memref<64xi32, #tpu.memory_space<hbm>>
    tpu.enqueue_dma source(%dma_start3A_121 : memref<64xi32, #tpu.memory_space<hbm>>) target(%arg8 : memref<64xi32, #tpu.memory_space<vmem>>) target_semaphore(%arg29 : memref<!tpu.dma_semaphore, #tpu.memory_space<semaphore_mem>>)
    %dma_start3A_122 = tpu.memref_slice %arg4[%multiple_of3A_119] : memref<320000xi32, #tpu.memory_space<hbm>> -> memref<64xi32, #tpu.memory_space<hbm>>
    %dma_start3A_123 = tpu.memref_slice %arg4[%multiple_of3A_119] : memref<320000xi32, #tpu.memory_space<hbm>> -> memref<64xi32, #tpu.memory_space<hbm>>
    tpu.enqueue_dma source(%dma_start3A_123 : memref<64xi32, #tpu.memory_space<hbm>>) target(%arg9 : memref<64xi32, #tpu.memory_space<vmem>>) target_semaphore(%arg29 : memref<!tpu.dma_semaphore, #tpu.memory_space<semaphore_mem>>)
    %multiple_of3A_124 = tpu.assume_multiple %mul3A_3, 8 : i32
    %dma_wait3A_125 = tpu.memref_slice %arg3[%multiple_of3A_124] : memref<320000xi32, #tpu.memory_space<hbm>> -> memref<64xi32, #tpu.memory_space<hbm>>
    %dma_wait3A_126 = tpu.memref_slice %arg3[%multiple_of3A_124] : memref<320000xi32, #tpu.memory_space<hbm>> -> memref<64xi32, #tpu.memory_space<hbm>>
    tpu.wait_dma2 semaphore(%arg29 : memref<!tpu.dma_semaphore, #tpu.memory_space<semaphore_mem>>) src(%dma_wait3A_126 : memref<64xi32, #tpu.memory_space<hbm>>) dst(%arg8 : memref<64xi32, #tpu.memory_space<vmem>>)
    %dma_wait3A_127 = tpu.memref_slice %arg4[%multiple_of3A_124] : memref<320000xi32, #tpu.memory_space<hbm>> -> memref<64xi32, #tpu.memory_space<hbm>>
    %dma_wait3A_128 = tpu.memref_slice %arg4[%multiple_of3A_124] : memref<320000xi32, #tpu.memory_space<hbm>> -> memref<64xi32, #tpu.memory_space<hbm>>
    tpu.wait_dma2 semaphore(%arg29 : memref<!tpu.dma_semaphore, #tpu.memory_space<semaphore_mem>>) src(%dma_wait3A_128 : memref<64xi32, #tpu.memory_space<hbm>>) dst(%arg9 : memref<64xi32, #tpu.memory_space<vmem>>)
    %dma_start3A_129 = arith.constant 0 : i32
    %dma_start3A_130 = arith.constant 0 : i32
    %dma_start3A_131 = tpu.memref_slice %arg2[%dma_start3A_129, %dma_start3A_130] : memref<10240x128xf32, #tpu.memory_space<hbm>> -> memref<10240x128xf32, #tpu.memory_space<hbm>>
    tpu.enqueue_indirect_dma source(%dma_start3A_131 : memref<10240x128xf32, #tpu.memory_space<hbm>>) target(%arg10 : memref<64x128xf32, #tpu.memory_space<vmem>>) offsets(%arg8 : memref<64xi32, #tpu.memory_space<vmem>>) semaphore(%arg25 : memref<!tpu.dma_semaphore, #tpu.memory_space<semaphore_mem>>)
    %add3A_132 = arith.constant 64 : i32
    %add3A_133 = arith.addi %mul3A_3, %add3A_132 : i32
    %multiple_of3A_134 = tpu.assume_multiple %add3A_133, 8 : i32
    %dma_start3A_135 = tpu.memref_slice %arg3[%multiple_of3A_134] : memref<320000xi32, #tpu.memory_space<hbm>> -> memref<64xi32, #tpu.memory_space<hbm>>
    %dma_start3A_136 = tpu.memref_slice %arg3[%multiple_of3A_134] : memref<320000xi32, #tpu.memory_space<hbm>> -> memref<64xi32, #tpu.memory_space<hbm>>
    tpu.enqueue_dma source(%dma_start3A_136 : memref<64xi32, #tpu.memory_space<hbm>>) target(%arg11 : memref<64xi32, #tpu.memory_space<vmem>>) target_semaphore(%arg30 : memref<!tpu.dma_semaphore, #tpu.memory_space<semaphore_mem>>)
    %dma_start3A_137 = tpu.memref_slice %arg4[%multiple_of3A_134] : memref<320000xi32, #tpu.memory_space<hbm>> -> memref<64xi32, #tpu.memory_space<hbm>>
    %dma_start3A_138 = tpu.memref_slice %arg4[%multiple_of3A_134] : memref<320000xi32, #tpu.memory_space<hbm>> -> memref<64xi32, #tpu.memory_space<hbm>>
    tpu.enqueue_dma source(%dma_start3A_138 : memref<64xi32, #tpu.memory_space<hbm>>) target(%arg12 : memref<64xi32, #tpu.memory_space<vmem>>) target_semaphore(%arg30 : memref<!tpu.dma_semaphore, #tpu.memory_space<semaphore_mem>>)
    %multiple_of3A_139 = tpu.assume_multiple %mul3A_3, 8 : i32
    %dma_wait3A_140 = tpu.memref_slice %arg3[%multiple_of3A_139] : memref<320000xi32, #tpu.memory_space<hbm>> -> memref<64xi32, #tpu.memory_space<hbm>>
    %dma_wait3A_141 = tpu.memref_slice %arg3[%multiple_of3A_139] : memref<320000xi32, #tpu.memory_space<hbm>> -> memref<64xi32, #tpu.memory_space<hbm>>
    tpu.wait_dma2 semaphore(%arg30 : memref<!tpu.dma_semaphore, #tpu.memory_space<semaphore_mem>>) src(%dma_wait3A_141 : memref<64xi32, #tpu.memory_space<hbm>>) dst(%arg11 : memref<64xi32, #tpu.memory_space<vmem>>)
    %dma_wait3A_142 = tpu.memref_slice %arg4[%multiple_of3A_139] : memref<320000xi32, #tpu.memory_space<hbm>> -> memref<64xi32, #tpu.memory_space<hbm>>
    %dma_wait3A_143 = tpu.memref_slice %arg4[%multiple_of3A_139] : memref<320000xi32, #tpu.memory_space<hbm>> -> memref<64xi32, #tpu.memory_space<hbm>>
    tpu.wait_dma2 semaphore(%arg30 : memref<!tpu.dma_semaphore, #tpu.memory_space<semaphore_mem>>) src(%dma_wait3A_143 : memref<64xi32, #tpu.memory_space<hbm>>) dst(%arg12 : memref<64xi32, #tpu.memory_space<vmem>>)
    %dma_start3A_144 = arith.constant 0 : i32
    %dma_start3A_145 = arith.constant 0 : i32
    %dma_start3A_146 = tpu.memref_slice %arg2[%dma_start3A_144, %dma_start3A_145] : memref<10240x128xf32, #tpu.memory_space<hbm>> -> memref<10240x128xf32, #tpu.memory_space<hbm>>
    tpu.enqueue_indirect_dma source(%dma_start3A_146 : memref<10240x128xf32, #tpu.memory_space<hbm>>) target(%arg13 : memref<64x128xf32, #tpu.memory_space<vmem>>) offsets(%arg11 : memref<64xi32, #tpu.memory_space<vmem>>) semaphore(%arg26 : memref<!tpu.dma_semaphore, #tpu.memory_space<semaphore_mem>>)
    %add3A_147 = arith.constant 128 : i32
    %add3A_148 = arith.addi %mul3A_3, %add3A_147 : i32
    %multiple_of3A_149 = tpu.assume_multiple %add3A_148, 8 : i32
    %dma_start3A_150 = tpu.memref_slice %arg3[%multiple_of3A_149] : memref<320000xi32, #tpu.memory_space<hbm>> -> memref<64xi32, #tpu.memory_space<hbm>>
    %dma_start3A_151 = tpu.memref_slice %arg3[%multiple_of3A_149] : memref<320000xi32, #tpu.memory_space<hbm>> -> memref<64xi32, #tpu.memory_space<hbm>>
    tpu.enqueue_dma source(%dma_start3A_151 : memref<64xi32, #tpu.memory_space<hbm>>) target(%arg14 : memref<64xi32, #tpu.memory_space<vmem>>) target_semaphore(%arg31 : memref<!tpu.dma_semaphore, #tpu.memory_space<semaphore_mem>>)
    %dma_start3A_152 = tpu.memref_slice %arg4[%multiple_of3A_149] : memref<320000xi32, #tpu.memory_space<hbm>> -> memref<64xi32, #tpu.memory_space<hbm>>
    %dma_start3A_153 = tpu.memref_slice %arg4[%multiple_of3A_149] : memref<320000xi32, #tpu.memory_space<hbm>> -> memref<64xi32, #tpu.memory_space<hbm>>
    tpu.enqueue_dma source(%dma_start3A_153 : memref<64xi32, #tpu.memory_space<hbm>>) target(%arg15 : memref<64xi32, #tpu.memory_space<vmem>>) target_semaphore(%arg31 : memref<!tpu.dma_semaphore, #tpu.memory_space<semaphore_mem>>)
    %barrier3A = arith.constant 0 : index
    tpu.barrier barrier_id(%barrier3A)
    %scan3A_154 = arith.constant 0 : i32
    %scan3A_155 = arith.constant 0 : i32
    %scan3A_156 = arith.constant 52 : i32
    %scan3A_157 = arith.addi %scan3A_155, %scan3A_156 : i32
    %scan3A_158 = arith.constant 1 : i32
    %scan3A_159 = scf.for %scan3A_189 = %scan3A_155 to %scan3A_157 step %scan3A_158 iter_args(%scan3A_190 = %scan3A_154) -> (i32)  : i32 {
      %mul3A_191 = arith.constant 3 : i32
      %mul3A_192 = arith.muli %scan3A_189, %mul3A_191 : i32
      %add3A_193 = arith.constant 2 : i32
      %add3A_194 = arith.addi %mul3A_192, %add3A_193 : i32
      %lt3A = arith.constant 156 : i32
      %lt3A_195 = arith.cmpi slt, %add3A_194, %lt3A : i32
      %convert_element_type3A = arith.extui %lt3A_195 : i1 to i32
      %cond3A = arith.constant 0 : i32
      %cond3A_196 = arith.cmpi ne, %convert_element_type3A, %cond3A : i32
      scf.if %cond3A_196 {
        %ge3A = arith.constant 1 : i32
        %ge3A_366 = arith.cmpi sge, %mul3A_192, %ge3A : i32
        %convert_element_type3A_367 = arith.extui %ge3A_366 : i1 to i32
        %cond3A_368 = arith.constant 0 : i32
        %cond3A_369 = arith.cmpi ne, %convert_element_type3A_367, %cond3A_368 : i32
        scf.if %cond3A_369 {
          %dma_wait3A_378 = arith.constant 0 : i32
          %dma_wait3A_379 = arith.constant 0 : i32
          %dma_wait3A_380 = tpu.memref_slice %arg24[%dma_wait3A_378, %dma_wait3A_379] : memref<10240x128xf32, #tpu.memory_space<vmem_shared>> -> memref<10240x128xf32, #tpu.memory_space<vmem_shared>>
          tpu.wait_indirect_dma semaphore(%arg34 : memref<!tpu.dma_semaphore, #tpu.memory_space<semaphore_mem>>) src(%arg16 : memref<64x128xf32, #tpu.memory_space<vmem>>) dst(%dma_wait3A_380 : memref<10240x128xf32, #tpu.memory_space<vmem_shared>>)
        } else {
        }
        %multiple_of3A_370 = tpu.assume_multiple %mul3A_3, 8 : i32
        %dma_wait3A_371 = tpu.memref_slice %arg3[%multiple_of3A_370] : memref<320000xi32, #tpu.memory_space<hbm>> -> memref<64xi32, #tpu.memory_space<hbm>>
        %dma_wait3A_372 = tpu.memref_slice %arg3[%multiple_of3A_370] : memref<320000xi32, #tpu.memory_space<hbm>> -> memref<64xi32, #tpu.memory_space<hbm>>
        tpu.wait_dma2 semaphore(%arg31 : memref<!tpu.dma_semaphore, #tpu.memory_space<semaphore_mem>>) src(%dma_wait3A_372 : memref<64xi32, #tpu.memory_space<hbm>>) dst(%arg14 : memref<64xi32, #tpu.memory_space<vmem>>)
        %dma_wait3A_373 = tpu.memref_slice %arg4[%multiple_of3A_370] : memref<320000xi32, #tpu.memory_space<hbm>> -> memref<64xi32, #tpu.memory_space<hbm>>
        %dma_wait3A_374 = tpu.memref_slice %arg4[%multiple_of3A_370] : memref<320000xi32, #tpu.memory_space<hbm>> -> memref<64xi32, #tpu.memory_space<hbm>>
        tpu.wait_dma2 semaphore(%arg31 : memref<!tpu.dma_semaphore, #tpu.memory_space<semaphore_mem>>) src(%dma_wait3A_374 : memref<64xi32, #tpu.memory_space<hbm>>) dst(%arg15 : memref<64xi32, #tpu.memory_space<vmem>>)
        %dma_start3A_375 = arith.constant 0 : i32
        %dma_start3A_376 = arith.constant 0 : i32
        %dma_start3A_377 = tpu.memref_slice %arg2[%dma_start3A_375, %dma_start3A_376] : memref<10240x128xf32, #tpu.memory_space<hbm>> -> memref<10240x128xf32, #tpu.memory_space<hbm>>
        tpu.enqueue_indirect_dma source(%dma_start3A_377 : memref<10240x128xf32, #tpu.memory_space<hbm>>) target(%arg16 : memref<64x128xf32, #tpu.memory_space<vmem>>) offsets(%arg14 : memref<64xi32, #tpu.memory_space<vmem>>) semaphore(%arg27 : memref<!tpu.dma_semaphore, #tpu.memory_space<semaphore_mem>>)
      } else {
      }
      %get3A_197 = arith.constant 0 : index
      %get3A_198 = tpu.vector_load %arg8[%get3A_197] {strides = array<i32>} : memref<64xi32, #tpu.memory_space<vmem>>, vector<16xi32>,
      %get3A_199 = arith.constant 0 : index
      %get3A_200 = tpu.vector_load %arg9[%get3A_199] {strides = array<i32>} : memref<64xi32, #tpu.memory_space<vmem>>, vector<16xi32>,
      %gather3A_201 = tpu.vector_load_idx %arg22[%get3A_200] : memref<10240xf32, #tpu.memory_space<vmem>>[vector<16xi32>], vector<16xf32>,
      tpu.vector_store_idx %arg23[%get3A_198], %gather3A_201 {add = true} : memref<10240xf32, #tpu.memory_space<vmem>>[vector<16xi32>], vector<16xf32>,
      %get3A_202 = arith.constant 16 : index
      %get3A_203 = tpu.vector_load %arg8[%get3A_202] {strides = array<i32>} : memref<64xi32, #tpu.memory_space<vmem>>, vector<16xi32>,
      %get3A_204 = arith.constant 16 : index
      %get3A_205 = tpu.vector_load %arg9[%get3A_204] {strides = array<i32>} : memref<64xi32, #tpu.memory_space<vmem>>, vector<16xi32>,
      %gather3A_206 = tpu.vector_load_idx %arg22[%get3A_205] : memref<10240xf32, #tpu.memory_space<vmem>>[vector<16xi32>], vector<16xf32>,
      tpu.vector_store_idx %arg23[%get3A_203], %gather3A_206 {add = true} : memref<10240xf32, #tpu.memory_space<vmem>>[vector<16xi32>], vector<16xf32>,
      %get3A_207 = arith.constant 32 : index
      %get3A_208 = tpu.vector_load %arg8[%get3A_207] {strides = array<i32>} : memref<64xi32, #tpu.memory_space<vmem>>, vector<16xi32>,
      %get3A_209 = arith.constant 32 : index
      %get3A_210 = tpu.vector_load %arg9[%get3A_209] {strides = array<i32>} : memref<64xi32, #tpu.memory_space<vmem>>, vector<16xi32>,
      %gather3A_211 = tpu.vector_load_idx %arg22[%get3A_210] : memref<10240xf32, #tpu.memory_space<vmem>>[vector<16xi32>], vector<16xf32>,
      tpu.vector_store_idx %arg23[%get3A_208], %gather3A_211 {add = true} : memref<10240xf32, #tpu.memory_space<vmem>>[vector<16xi32>], vector<16xf32>,
      %get3A_212 = arith.constant 48 : index
      %get3A_213 = tpu.vector_load %arg8[%get3A_212] {strides = array<i32>} : memref<64xi32, #tpu.memory_space<vmem>>, vector<16xi32>,
      %get3A_214 = arith.constant 48 : index
      %get3A_215 = tpu.vector_load %arg9[%get3A_214] {strides = array<i32>} : memref<64xi32, #tpu.memory_space<vmem>>, vector<16xi32>,
      %gather3A_216 = tpu.vector_load_idx %arg22[%get3A_215] : memref<10240xf32, #tpu.memory_space<vmem>>[vector<16xi32>], vector<16xf32>,
      tpu.vector_store_idx %arg23[%get3A_213], %gather3A_216 {add = true} : memref<10240xf32, #tpu.memory_space<vmem>>[vector<16xi32>], vector<16xf32>,
      %dma_wait3A_217 = arith.constant 0 : i32
      %dma_wait3A_218 = arith.constant 0 : i32
      %dma_wait3A_219 = tpu.memref_slice %arg2[%dma_wait3A_217, %dma_wait3A_218] : memref<10240x128xf32, #tpu.memory_space<hbm>> -> memref<10240x128xf32, #tpu.memory_space<hbm>>
      tpu.wait_indirect_dma semaphore(%arg25 : memref<!tpu.dma_semaphore, #tpu.memory_space<semaphore_mem>>) src(%dma_wait3A_219 : memref<10240x128xf32, #tpu.memory_space<hbm>>) dst(%arg10 : memref<64x128xf32, #tpu.memory_space<vmem>>)
      %get3A_220 = arith.constant 0 : index
      %get3A_221 = tpu.vector_load %arg9[%get3A_220] {strides = array<i32>} : memref<64xi32, #tpu.memory_space<vmem>>, vector<16xi32>,
      %swap3A = arith.constant 0 : index
      %swap3A_222 = tpu.vector_load %arg19[%swap3A] {strides = array<i32>} : memref<64xi32, #tpu.memory_space<vmem>>, vector<16xi32>,
      tpu.vector_store %arg19[%swap3A], %get3A_221 {strides = array<i32>} : memref<64xi32, #tpu.memory_space<vmem>>, vector<16xi32>,
      %get3A_223 = arith.constant 16 : index
      %get3A_224 = tpu.vector_load %arg9[%get3A_223] {strides = array<i32>} : memref<64xi32, #tpu.memory_space<vmem>>, vector<16xi32>,
      %swap3A_225 = arith.constant 16 : index
      %swap3A_226 = tpu.vector_load %arg19[%swap3A_225] {strides = array<i32>} : memref<64xi32, #tpu.memory_space<vmem>>, vector<16xi32>,
      tpu.vector_store %arg19[%swap3A_225], %get3A_224 {strides = array<i32>} : memref<64xi32, #tpu.memory_space<vmem>>, vector<16xi32>,
      %get3A_227 = arith.constant 32 : index
      %get3A_228 = tpu.vector_load %arg9[%get3A_227] {strides = array<i32>} : memref<64xi32, #tpu.memory_space<vmem>>, vector<16xi32>,
      %swap3A_229 = arith.constant 32 : index
      %swap3A_230 = tpu.vector_load %arg19[%swap3A_229] {strides = array<i32>} : memref<64xi32, #tpu.memory_space<vmem>>, vector<16xi32>,
      tpu.vector_store %arg19[%swap3A_229], %get3A_228 {strides = array<i32>} : memref<64xi32, #tpu.memory_space<vmem>>, vector<16xi32>,
      %get3A_231 = arith.constant 48 : index
      %get3A_232 = tpu.vector_load %arg9[%get3A_231] {strides = array<i32>} : memref<64xi32, #tpu.memory_space<vmem>>, vector<16xi32>,
      %swap3A_233 = arith.constant 48 : index
      %swap3A_234 = tpu.vector_load %arg19[%swap3A_233] {strides = array<i32>} : memref<64xi32, #tpu.memory_space<vmem>>, vector<16xi32>,
      tpu.vector_store %arg19[%swap3A_233], %get3A_232 {strides = array<i32>} : memref<64xi32, #tpu.memory_space<vmem>>, vector<16xi32>,
      %dma_start3A_235 = arith.constant 0 : i32
      %dma_start3A_236 = arith.constant 0 : i32
      %dma_start3A_237 = tpu.memref_slice %arg24[%dma_start3A_235, %dma_start3A_236] : memref<10240x128xf32, #tpu.memory_space<vmem_shared>> -> memref<10240x128xf32, #tpu.memory_space<vmem_shared>>
      tpu.enqueue_indirect_dma source(%arg10 : memref<64x128xf32, #tpu.memory_space<vmem>>) target(%dma_start3A_237 : memref<10240x128xf32, #tpu.memory_space<vmem_shared>>) offsets(%arg19 : memref<64xi32, #tpu.memory_space<vmem>>) semaphore(%arg32 : memref<!tpu.dma_semaphore, #tpu.memory_space<semaphore_mem>>) {add = true}
      %add3A_238 = arith.constant 3 : i32
      %add3A_239 = arith.addi %mul3A_192, %add3A_238 : i32
      %lt3A_240 = arith.constant 156 : i32
      %lt3A_241 = arith.cmpi slt, %add3A_239, %lt3A_240 : i32
      %convert_element_type3A_242 = arith.extui %lt3A_241 : i1 to i32
      %cond3A_243 = arith.constant 0 : i32
      %cond3A_244 = arith.cmpi ne, %convert_element_type3A_242, %cond3A_243 : i32
      scf.if %cond3A_244 {
        %add3A_366 = arith.constant 3 : i32
        %add3A_367 = arith.addi %mul3A_192, %add3A_366 : i32
        %mul3A_368 = arith.constant 64 : i32
        %mul3A_369 = arith.muli %add3A_367, %mul3A_368 : i32
        %add3A_370 = arith.addi %mul3A_3, %mul3A_369 : i32
        %multiple_of3A_371 = tpu.assume_multiple %add3A_370, 8 : i32
        %dma_start3A_372 = tpu.memref_slice %arg3[%multiple_of3A_371] : memref<320000xi32, #tpu.memory_space<hbm>> -> memref<64xi32, #tpu.memory_space<hbm>>
        %dma_start3A_373 = tpu.memref_slice %arg3[%multiple_of3A_371] : memref<320000xi32, #tpu.memory_space<hbm>> -> memref<64xi32, #tpu.memory_space<hbm>>
        tpu.enqueue_dma source(%dma_start3A_373 : memref<64xi32, #tpu.memory_space<hbm>>) target(%arg8 : memref<64xi32, #tpu.memory_space<vmem>>) target_semaphore(%arg29 : memref<!tpu.dma_semaphore, #tpu.memory_space<semaphore_mem>>)
        %dma_start3A_374 = tpu.memref_slice %arg4[%multiple_of3A_371] : memref<320000xi32, #tpu.memory_space<hbm>> -> memref<64xi32, #tpu.memory_space<hbm>>
        %dma_start3A_375 = tpu.memref_slice %arg4[%multiple_of3A_371] : memref<320000xi32, #tpu.memory_space<hbm>> -> memref<64xi32, #tpu.memory_space<hbm>>
        tpu.enqueue_dma source(%dma_start3A_375 : memref<64xi32, #tpu.memory_space<hbm>>) target(%arg9 : memref<64xi32, #tpu.memory_space<vmem>>) target_semaphore(%arg29 : memref<!tpu.dma_semaphore, #tpu.memory_space<semaphore_mem>>)
      } else {
      }
      %mul3A_245 = arith.constant 3 : i32
      %mul3A_246 = arith.muli %scan3A_189, %mul3A_245 : i32
      %add3A_247 = arith.constant 1 : i32
      %add3A_248 = arith.addi %mul3A_246, %add3A_247 : i32
      %add3A_249 = arith.constant 2 : i32
      %add3A_250 = arith.addi %add3A_248, %add3A_249 : i32
      %lt3A_251 = arith.constant 156 : i32
      %lt3A_252 = arith.cmpi slt, %add3A_250, %lt3A_251 : i32
      %convert_element_type3A_253 = arith.extui %lt3A_252 : i1 to i32
      %cond3A_254 = arith.constant 0 : i32
      %cond3A_255 = arith.cmpi ne, %convert_element_type3A_253, %cond3A_254 : i32
      scf.if %cond3A_255 {
        %ge3A = arith.constant 1 : i32
        %ge3A_366 = arith.cmpi sge, %add3A_248, %ge3A : i32
        %convert_element_type3A_367 = arith.extui %ge3A_366 : i1 to i32
        %cond3A_368 = arith.constant 0 : i32
        %cond3A_369 = arith.cmpi ne, %convert_element_type3A_367, %cond3A_368 : i32
        scf.if %cond3A_369 {
          %dma_wait3A_378 = arith.constant 0 : i32
          %dma_wait3A_379 = arith.constant 0 : i32
          %dma_wait3A_380 = tpu.memref_slice %arg24[%dma_wait3A_378, %dma_wait3A_379] : memref<10240x128xf32, #tpu.memory_space<vmem_shared>> -> memref<10240x128xf32, #tpu.memory_space<vmem_shared>>
          tpu.wait_indirect_dma semaphore(%arg32 : memref<!tpu.dma_semaphore, #tpu.memory_space<semaphore_mem>>) src(%arg10 : memref<64x128xf32, #tpu.memory_space<vmem>>) dst(%dma_wait3A_380 : memref<10240x128xf32, #tpu.memory_space<vmem_shared>>)
        } else {
        }
        %multiple_of3A_370 = tpu.assume_multiple %mul3A_3, 8 : i32
        %dma_wait3A_371 = tpu.memref_slice %arg3[%multiple_of3A_370] : memref<320000xi32, #tpu.memory_space<hbm>> -> memref<64xi32, #tpu.memory_space<hbm>>
        %dma_wait3A_372 = tpu.memref_slice %arg3[%multiple_of3A_370] : memref<320000xi32, #tpu.memory_space<hbm>> -> memref<64xi32, #tpu.memory_space<hbm>>
        tpu.wait_dma2 semaphore(%arg29 : memref<!tpu.dma_semaphore, #tpu.memory_space<semaphore_mem>>) src(%dma_wait3A_372 : memref<64xi32, #tpu.memory_space<hbm>>) dst(%arg8 : memref<64xi32, #tpu.memory_space<vmem>>)
        %dma_wait3A_373 = tpu.memref_slice %arg4[%multiple_of3A_370] : memref<320000xi32, #tpu.memory_space<hbm>> -> memref<64xi32, #tpu.memory_space<hbm>>
        %dma_wait3A_374 = tpu.memref_slice %arg4[%multiple_of3A_370] : memref<320000xi32, #tpu.memory_space<hbm>> -> memref<64xi32, #tpu.memory_space<hbm>>
        tpu.wait_dma2 semaphore(%arg29 : memref<!tpu.dma_semaphore, #tpu.memory_space<semaphore_mem>>) src(%dma_wait3A_374 : memref<64xi32, #tpu.memory_space<hbm>>) dst(%arg9 : memref<64xi32, #tpu.memory_space<vmem>>)
        %dma_start3A_375 = arith.constant 0 : i32
        %dma_start3A_376 = arith.constant 0 : i32
        %dma_start3A_377 = tpu.memref_slice %arg2[%dma_start3A_375, %dma_start3A_376] : memref<10240x128xf32, #tpu.memory_space<hbm>> -> memref<10240x128xf32, #tpu.memory_space<hbm>>
        tpu.enqueue_indirect_dma source(%dma_start3A_377 : memref<10240x128xf32, #tpu.memory_space<hbm>>) target(%arg10 : memref<64x128xf32, #tpu.memory_space<vmem>>) offsets(%arg8 : memref<64xi32, #tpu.memory_space<vmem>>) semaphore(%arg25 : memref<!tpu.dma_semaphore, #tpu.memory_space<semaphore_mem>>)
      } else {
      }
      %get3A_256 = arith.constant 0 : index
      %get3A_257 = tpu.vector_load %arg11[%get3A_256] {strides = array<i32>} : memref<64xi32, #tpu.memory_space<vmem>>, vector<16xi32>,
      %get3A_258 = arith.constant 0 : index
      %get3A_259 = tpu.vector_load %arg12[%get3A_258] {strides = array<i32>} : memref<64xi32, #tpu.memory_space<vmem>>, vector<16xi32>,
      %gather3A_260 = tpu.vector_load_idx %arg22[%get3A_259] : memref<10240xf32, #tpu.memory_space<vmem>>[vector<16xi32>], vector<16xf32>,
      tpu.vector_store_idx %arg23[%get3A_257], %gather3A_260 {add = true} : memref<10240xf32, #tpu.memory_space<vmem>>[vector<16xi32>], vector<16xf32>,
      %get3A_261 = arith.constant 16 : index
      %get3A_262 = tpu.vector_load %arg11[%get3A_261] {strides = array<i32>} : memref<64xi32, #tpu.memory_space<vmem>>, vector<16xi32>,
      %get3A_263 = arith.constant 16 : index
      %get3A_264 = tpu.vector_load %arg12[%get3A_263] {strides = array<i32>} : memref<64xi32, #tpu.memory_space<vmem>>, vector<16xi32>,
      %gather3A_265 = tpu.vector_load_idx %arg22[%get3A_264] : memref<10240xf32, #tpu.memory_space<vmem>>[vector<16xi32>], vector<16xf32>,
      tpu.vector_store_idx %arg23[%get3A_262], %gather3A_265 {add = true} : memref<10240xf32, #tpu.memory_space<vmem>>[vector<16xi32>], vector<16xf32>,
      %get3A_266 = arith.constant 32 : index
      %get3A_267 = tpu.vector_load %arg11[%get3A_266] {strides = array<i32>} : memref<64xi32, #tpu.memory_space<vmem>>, vector<16xi32>,
      %get3A_268 = arith.constant 32 : index
      %get3A_269 = tpu.vector_load %arg12[%get3A_268] {strides = array<i32>} : memref<64xi32, #tpu.memory_space<vmem>>, vector<16xi32>,
      %gather3A_270 = tpu.vector_load_idx %arg22[%get3A_269] : memref<10240xf32, #tpu.memory_space<vmem>>[vector<16xi32>], vector<16xf32>,
      tpu.vector_store_idx %arg23[%get3A_267], %gather3A_270 {add = true} : memref<10240xf32, #tpu.memory_space<vmem>>[vector<16xi32>], vector<16xf32>,
      %get3A_271 = arith.constant 48 : index
      %get3A_272 = tpu.vector_load %arg11[%get3A_271] {strides = array<i32>} : memref<64xi32, #tpu.memory_space<vmem>>, vector<16xi32>,
      %get3A_273 = arith.constant 48 : index
      %get3A_274 = tpu.vector_load %arg12[%get3A_273] {strides = array<i32>} : memref<64xi32, #tpu.memory_space<vmem>>, vector<16xi32>,
      %gather3A_275 = tpu.vector_load_idx %arg22[%get3A_274] : memref<10240xf32, #tpu.memory_space<vmem>>[vector<16xi32>], vector<16xf32>,
      tpu.vector_store_idx %arg23[%get3A_272], %gather3A_275 {add = true} : memref<10240xf32, #tpu.memory_space<vmem>>[vector<16xi32>], vector<16xf32>,
      %dma_wait3A_276 = arith.constant 0 : i32
      %dma_wait3A_277 = arith.constant 0 : i32
      %dma_wait3A_278 = tpu.memref_slice %arg2[%dma_wait3A_276, %dma_wait3A_277] : memref<10240x128xf32, #tpu.memory_space<hbm>> -> memref<10240x128xf32, #tpu.memory_space<hbm>>
      tpu.wait_indirect_dma semaphore(%arg26 : memref<!tpu.dma_semaphore, #tpu.memory_space<semaphore_mem>>) src(%dma_wait3A_278 : memref<10240x128xf32, #tpu.memory_space<hbm>>) dst(%arg13 : memref<64x128xf32, #tpu.memory_space<vmem>>)
      %get3A_279 = arith.constant 0 : index
      %get3A_280 = tpu.vector_load %arg12[%get3A_279] {strides = array<i32>} : memref<64xi32, #tpu.memory_space<vmem>>, vector<16xi32>,
      %swap3A_281 = arith.constant 0 : index
      %swap3A_282 = tpu.vector_load %arg20[%swap3A_281] {strides = array<i32>} : memref<64xi32, #tpu.memory_space<vmem>>, vector<16xi32>,
      tpu.vector_store %arg20[%swap3A_281], %get3A_280 {strides = array<i32>} : memref<64xi32, #tpu.memory_space<vmem>>, vector<16xi32>,
      %get3A_283 = arith.constant 16 : index
      %get3A_284 = tpu.vector_load %arg12[%get3A_283] {strides = array<i32>} : memref<64xi32, #tpu.memory_space<vmem>>, vector<16xi32>,
      %swap3A_285 = arith.constant 16 : index
      %swap3A_286 = tpu.vector_load %arg20[%swap3A_285] {strides = array<i32>} : memref<64xi32, #tpu.memory_space<vmem>>, vector<16xi32>,
      tpu.vector_store %arg20[%swap3A_285], %get3A_284 {strides = array<i32>} : memref<64xi32, #tpu.memory_space<vmem>>, vector<16xi32>,
      %get3A_287 = arith.constant 32 : index
      %get3A_288 = tpu.vector_load %arg12[%get3A_287] {strides = array<i32>} : memref<64xi32, #tpu.memory_space<vmem>>, vector<16xi32>,
      %swap3A_289 = arith.constant 32 : index
      %swap3A_290 = tpu.vector_load %arg20[%swap3A_289] {strides = array<i32>} : memref<64xi32, #tpu.memory_space<vmem>>, vector<16xi32>,
      tpu.vector_store %arg20[%swap3A_289], %get3A_288 {strides = array<i32>} : memref<64xi32, #tpu.memory_space<vmem>>, vector<16xi32>,
      %get3A_291 = arith.constant 48 : index
      %get3A_292 = tpu.vector_load %arg12[%get3A_291] {strides = array<i32>} : memref<64xi32, #tpu.memory_space<vmem>>, vector<16xi32>,
      %swap3A_293 = arith.constant 48 : index
      %swap3A_294 = tpu.vector_load %arg20[%swap3A_293] {strides = array<i32>} : memref<64xi32, #tpu.memory_space<vmem>>, vector<16xi32>,
      tpu.vector_store %arg20[%swap3A_293], %get3A_292 {strides = array<i32>} : memref<64xi32, #tpu.memory_space<vmem>>, vector<16xi32>,
      %dma_start3A_295 = arith.constant 0 : i32
      %dma_start3A_296 = arith.constant 0 : i32
      %dma_start3A_297 = tpu.memref_slice %arg24[%dma_start3A_295, %dma_start3A_296] : memref<10240x128xf32, #tpu.memory_space<vmem_shared>> -> memref<10240x128xf32, #tpu.memory_space<vmem_shared>>
      tpu.enqueue_indirect_dma source(%arg13 : memref<64x128xf32, #tpu.memory_space<vmem>>) target(%dma_start3A_297 : memref<10240x128xf32, #tpu.memory_space<vmem_shared>>) offsets(%arg20 : memref<64xi32, #tpu.memory_space<vmem>>) semaphore(%arg33 : memref<!tpu.dma_semaphore, #tpu.memory_space<semaphore_mem>>) {add = true}
      %add3A_298 = arith.constant 3 : i32
      %add3A_299 = arith.addi %add3A_248, %add3A_298 : i32
      %lt3A_300 = arith.constant 156 : i32
      %lt3A_301 = arith.cmpi slt, %add3A_299, %lt3A_300 : i32
      %convert_element_type3A_302 = arith.extui %lt3A_301 : i1 to i32
      %cond3A_303 = arith.constant 0 : i32
      %cond3A_304 = arith.cmpi ne, %convert_element_type3A_302, %cond3A_303 : i32
      scf.if %cond3A_304 {
        %add3A_366 = arith.constant 3 : i32
        %add3A_367 = arith.addi %add3A_248, %add3A_366 : i32
        %mul3A_368 = arith.constant 64 : i32
        %mul3A_369 = arith.muli %add3A_367, %mul3A_368 : i32
        %add3A_370 = arith.addi %mul3A_3, %mul3A_369 : i32
        %multiple_of3A_371 = tpu.assume_multiple %add3A_370, 8 : i32
        %dma_start3A_372 = tpu.memref_slice %arg3[%multiple_of3A_371] : memref<320000xi32, #tpu.memory_space<hbm>> -> memref<64xi32, #tpu.memory_space<hbm>>
        %dma_start3A_373 = tpu.memref_slice %arg3[%multiple_of3A_371] : memref<320000xi32, #tpu.memory_space<hbm>> -> memref<64xi32, #tpu.memory_space<hbm>>
        tpu.enqueue_dma source(%dma_start3A_373 : memref<64xi32, #tpu.memory_space<hbm>>) target(%arg11 : memref<64xi32, #tpu.memory_space<vmem>>) target_semaphore(%arg30 : memref<!tpu.dma_semaphore, #tpu.memory_space<semaphore_mem>>)
        %dma_start3A_374 = tpu.memref_slice %arg4[%multiple_of3A_371] : memref<320000xi32, #tpu.memory_space<hbm>> -> memref<64xi32, #tpu.memory_space<hbm>>
        %dma_start3A_375 = tpu.memref_slice %arg4[%multiple_of3A_371] : memref<320000xi32, #tpu.memory_space<hbm>> -> memref<64xi32, #tpu.memory_space<hbm>>
        tpu.enqueue_dma source(%dma_start3A_375 : memref<64xi32, #tpu.memory_space<hbm>>) target(%arg12 : memref<64xi32, #tpu.memory_space<vmem>>) target_semaphore(%arg30 : memref<!tpu.dma_semaphore, #tpu.memory_space<semaphore_mem>>)
      } else {
      }
      %mul3A_305 = arith.constant 3 : i32
      %mul3A_306 = arith.muli %scan3A_189, %mul3A_305 : i32
      %add3A_307 = arith.constant 2 : i32
      %add3A_308 = arith.addi %mul3A_306, %add3A_307 : i32
      %add3A_309 = arith.constant 2 : i32
      %add3A_310 = arith.addi %add3A_308, %add3A_309 : i32
      %lt3A_311 = arith.constant 156 : i32
      %lt3A_312 = arith.cmpi slt, %add3A_310, %lt3A_311 : i32
      %convert_element_type3A_313 = arith.extui %lt3A_312 : i1 to i32
      %cond3A_314 = arith.constant 0 : i32
      %cond3A_315 = arith.cmpi ne, %convert_element_type3A_313, %cond3A_314 : i32
      scf.if %cond3A_315 {
        %ge3A = arith.constant 1 : i32
        %ge3A_366 = arith.cmpi sge, %add3A_308, %ge3A : i32
        %convert_element_type3A_367 = arith.extui %ge3A_366 : i1 to i32
        %cond3A_368 = arith.constant 0 : i32
        %cond3A_369 = arith.cmpi ne, %convert_element_type3A_367, %cond3A_368 : i32
        scf.if %cond3A_369 {
          %dma_wait3A_378 = arith.constant 0 : i32
          %dma_wait3A_379 = arith.constant 0 : i32
          %dma_wait3A_380 = tpu.memref_slice %arg24[%dma_wait3A_378, %dma_wait3A_379] : memref<10240x128xf32, #tpu.memory_space<vmem_shared>> -> memref<10240x128xf32, #tpu.memory_space<vmem_shared>>
          tpu.wait_indirect_dma semaphore(%arg33 : memref<!tpu.dma_semaphore, #tpu.memory_space<semaphore_mem>>) src(%arg13 : memref<64x128xf32, #tpu.memory_space<vmem>>) dst(%dma_wait3A_380 : memref<10240x128xf32, #tpu.memory_space<vmem_shared>>)
        } else {
        }
        %multiple_of3A_370 = tpu.assume_multiple %mul3A_3, 8 : i32
        %dma_wait3A_371 = tpu.memref_slice %arg3[%multiple_of3A_370] : memref<320000xi32, #tpu.memory_space<hbm>> -> memref<64xi32, #tpu.memory_space<hbm>>
        %dma_wait3A_372 = tpu.memref_slice %arg3[%multiple_of3A_370] : memref<320000xi32, #tpu.memory_space<hbm>> -> memref<64xi32, #tpu.memory_space<hbm>>
        tpu.wait_dma2 semaphore(%arg30 : memref<!tpu.dma_semaphore, #tpu.memory_space<semaphore_mem>>) src(%dma_wait3A_372 : memref<64xi32, #tpu.memory_space<hbm>>) dst(%arg11 : memref<64xi32, #tpu.memory_space<vmem>>)
        %dma_wait3A_373 = tpu.memref_slice %arg4[%multiple_of3A_370] : memref<320000xi32, #tpu.memory_space<hbm>> -> memref<64xi32, #tpu.memory_space<hbm>>
        %dma_wait3A_374 = tpu.memref_slice %arg4[%multiple_of3A_370] : memref<320000xi32, #tpu.memory_space<hbm>> -> memref<64xi32, #tpu.memory_space<hbm>>
        tpu.wait_dma2 semaphore(%arg30 : memref<!tpu.dma_semaphore, #tpu.memory_space<semaphore_mem>>) src(%dma_wait3A_374 : memref<64xi32, #tpu.memory_space<hbm>>) dst(%arg12 : memref<64xi32, #tpu.memory_space<vmem>>)
        %dma_start3A_375 = arith.constant 0 : i32
        %dma_start3A_376 = arith.constant 0 : i32
        %dma_start3A_377 = tpu.memref_slice %arg2[%dma_start3A_375, %dma_start3A_376] : memref<10240x128xf32, #tpu.memory_space<hbm>> -> memref<10240x128xf32, #tpu.memory_space<hbm>>
        tpu.enqueue_indirect_dma source(%dma_start3A_377 : memref<10240x128xf32, #tpu.memory_space<hbm>>) target(%arg13 : memref<64x128xf32, #tpu.memory_space<vmem>>) offsets(%arg11 : memref<64xi32, #tpu.memory_space<vmem>>) semaphore(%arg26 : memref<!tpu.dma_semaphore, #tpu.memory_space<semaphore_mem>>)
      } else {
      }
      %get3A_316 = arith.constant 0 : index
      %get3A_317 = tpu.vector_load %arg14[%get3A_316] {strides = array<i32>} : memref<64xi32, #tpu.memory_space<vmem>>, vector<16xi32>,
      %get3A_318 = arith.constant 0 : index
      %get3A_319 = tpu.vector_load %arg15[%get3A_318] {strides = array<i32>} : memref<64xi32, #tpu.memory_space<vmem>>, vector<16xi32>,
      %gather3A_320 = tpu.vector_load_idx %arg22[%get3A_319] : memref<10240xf32, #tpu.memory_space<vmem>>[vector<16xi32>], vector<16xf32>,
      tpu.vector_store_idx %arg23[%get3A_317], %gather3A_320 {add = true} : memref<10240xf32, #tpu.memory_space<vmem>>[vector<16xi32>], vector<16xf32>,
      %get3A_321 = arith.constant 16 : index
      %get3A_322 = tpu.vector_load %arg14[%get3A_321] {strides = array<i32>} : memref<64xi32, #tpu.memory_space<vmem>>, vector<16xi32>,
      %get3A_323 = arith.constant 16 : index
      %get3A_324 = tpu.vector_load %arg15[%get3A_323] {strides = array<i32>} : memref<64xi32, #tpu.memory_space<vmem>>, vector<16xi32>,
      %gather3A_325 = tpu.vector_load_idx %arg22[%get3A_324] : memref<10240xf32, #tpu.memory_space<vmem>>[vector<16xi32>], vector<16xf32>,
      tpu.vector_store_idx %arg23[%get3A_322], %gather3A_325 {add = true} : memref<10240xf32, #tpu.memory_space<vmem>>[vector<16xi32>], vector<16xf32>,
      %get3A_326 = arith.constant 32 : index
      %get3A_327 = tpu.vector_load %arg14[%get3A_326] {strides = array<i32>} : memref<64xi32, #tpu.memory_space<vmem>>, vector<16xi32>,
      %get3A_328 = arith.constant 32 : index
      %get3A_329 = tpu.vector_load %arg15[%get3A_328] {strides = array<i32>} : memref<64xi32, #tpu.memory_space<vmem>>, vector<16xi32>,
      %gather3A_330 = tpu.vector_load_idx %arg22[%get3A_329] : memref<10240xf32, #tpu.memory_space<vmem>>[vector<16xi32>], vector<16xf32>,
      tpu.vector_store_idx %arg23[%get3A_327], %gather3A_330 {add = true} : memref<10240xf32, #tpu.memory_space<vmem>>[vector<16xi32>], vector<16xf32>,
      %get3A_331 = arith.constant 48 : index
      %get3A_332 = tpu.vector_load %arg14[%get3A_331] {strides = array<i32>} : memref<64xi32, #tpu.memory_space<vmem>>, vector<16xi32>,
      %get3A_333 = arith.constant 48 : index
      %get3A_334 = tpu.vector_load %arg15[%get3A_333] {strides = array<i32>} : memref<64xi32, #tpu.memory_space<vmem>>, vector<16xi32>,
      %gather3A_335 = tpu.vector_load_idx %arg22[%get3A_334] : memref<10240xf32, #tpu.memory_space<vmem>>[vector<16xi32>], vector<16xf32>,
      tpu.vector_store_idx %arg23[%get3A_332], %gather3A_335 {add = true} : memref<10240xf32, #tpu.memory_space<vmem>>[vector<16xi32>], vector<16xf32>,
      %dma_wait3A_336 = arith.constant 0 : i32
      %dma_wait3A_337 = arith.constant 0 : i32
      %dma_wait3A_338 = tpu.memref_slice %arg2[%dma_wait3A_336, %dma_wait3A_337] : memref<10240x128xf32, #tpu.memory_space<hbm>> -> memref<10240x128xf32, #tpu.memory_space<hbm>>
      tpu.wait_indirect_dma semaphore(%arg27 : memref<!tpu.dma_semaphore, #tpu.memory_space<semaphore_mem>>) src(%dma_wait3A_338 : memref<10240x128xf32, #tpu.memory_space<hbm>>) dst(%arg16 : memref<64x128xf32, #tpu.memory_space<vmem>>)
      %get3A_339 = arith.constant 0 : index
      %get3A_340 = tpu.vector_load %arg15[%get3A_339] {strides = array<i32>} : memref<64xi32, #tpu.memory_space<vmem>>, vector<16xi32>,
      %swap3A_341 = arith.constant 0 : index
      %swap3A_342 = tpu.vector_load %arg21[%swap3A_341] {strides = array<i32>} : memref<64xi32, #tpu.memory_space<vmem>>, vector<16xi32>,
      tpu.vector_store %arg21[%swap3A_341], %get3A_340 {strides = array<i32>} : memref<64xi32, #tpu.memory_space<vmem>>, vector<16xi32>,
      %get3A_343 = arith.constant 16 : index
      %get3A_344 = tpu.vector_load %arg15[%get3A_343] {strides = array<i32>} : memref<64xi32, #tpu.memory_space<vmem>>, vector<16xi32>,
      %swap3A_345 = arith.constant 16 : index
      %swap3A_346 = tpu.vector_load %arg21[%swap3A_345] {strides = array<i32>} : memref<64xi32, #tpu.memory_space<vmem>>, vector<16xi32>,
      tpu.vector_store %arg21[%swap3A_345], %get3A_344 {strides = array<i32>} : memref<64xi32, #tpu.memory_space<vmem>>, vector<16xi32>,
      %get3A_347 = arith.constant 32 : index
      %get3A_348 = tpu.vector_load %arg15[%get3A_347] {strides = array<i32>} : memref<64xi32, #tpu.memory_space<vmem>>, vector<16xi32>,
      %swap3A_349 = arith.constant 32 : index
      %swap3A_350 = tpu.vector_load %arg21[%swap3A_349] {strides = array<i32>} : memref<64xi32, #tpu.memory_space<vmem>>, vector<16xi32>,
      tpu.vector_store %arg21[%swap3A_349], %get3A_348 {strides = array<i32>} : memref<64xi32, #tpu.memory_space<vmem>>, vector<16xi32>,
      %get3A_351 = arith.constant 48 : index
      %get3A_352 = tpu.vector_load %arg15[%get3A_351] {strides = array<i32>} : memref<64xi32, #tpu.memory_space<vmem>>, vector<16xi32>,
      %swap3A_353 = arith.constant 48 : index
      %swap3A_354 = tpu.vector_load %arg21[%swap3A_353] {strides = array<i32>} : memref<64xi32, #tpu.memory_space<vmem>>, vector<16xi32>,
      tpu.vector_store %arg21[%swap3A_353], %get3A_352 {strides = array<i32>} : memref<64xi32, #tpu.memory_space<vmem>>, vector<16xi32>,
      %dma_start3A_355 = arith.constant 0 : i32
      %dma_start3A_356 = arith.constant 0 : i32
      %dma_start3A_357 = tpu.memref_slice %arg24[%dma_start3A_355, %dma_start3A_356] : memref<10240x128xf32, #tpu.memory_space<vmem_shared>> -> memref<10240x128xf32, #tpu.memory_space<vmem_shared>>
      tpu.enqueue_indirect_dma source(%arg16 : memref<64x128xf32, #tpu.memory_space<vmem>>) target(%dma_start3A_357 : memref<10240x128xf32, #tpu.memory_space<vmem_shared>>) offsets(%arg21 : memref<64xi32, #tpu.memory_space<vmem>>) semaphore(%arg34 : memref<!tpu.dma_semaphore, #tpu.memory_space<semaphore_mem>>) {add = true}
      %add3A_358 = arith.constant 3 : i32
      %add3A_359 = arith.addi %add3A_308, %add3A_358 : i32
      %lt3A_360 = arith.constant 156 : i32
      %lt3A_361 = arith.cmpi slt, %add3A_359, %lt3A_360 : i32
      %convert_element_type3A_362 = arith.extui %lt3A_361 : i1 to i32
      %cond3A_363 = arith.constant 0 : i32
      %cond3A_364 = arith.cmpi ne, %convert_element_type3A_362, %cond3A_363 : i32
      scf.if %cond3A_364 {
        %add3A_366 = arith.constant 3 : i32
        %add3A_367 = arith.addi %add3A_308, %add3A_366 : i32
        %mul3A_368 = arith.constant 64 : i32
        %mul3A_369 = arith.muli %add3A_367, %mul3A_368 : i32
        %add3A_370 = arith.addi %mul3A_3, %mul3A_369 : i32
        %multiple_of3A_371 = tpu.assume_multiple %add3A_370, 8 : i32
        %dma_start3A_372 = tpu.memref_slice %arg3[%multiple_of3A_371] : memref<320000xi32, #tpu.memory_space<hbm>> -> memref<64xi32, #tpu.memory_space<hbm>>
        %dma_start3A_373 = tpu.memref_slice %arg3[%multiple_of3A_371] : memref<320000xi32, #tpu.memory_space<hbm>> -> memref<64xi32, #tpu.memory_space<hbm>>
        tpu.enqueue_dma source(%dma_start3A_373 : memref<64xi32, #tpu.memory_space<hbm>>) target(%arg14 : memref<64xi32, #tpu.memory_space<vmem>>) target_semaphore(%arg31 : memref<!tpu.dma_semaphore, #tpu.memory_space<semaphore_mem>>)
        %dma_start3A_374 = tpu.memref_slice %arg4[%multiple_of3A_371] : memref<320000xi32, #tpu.memory_space<hbm>> -> memref<64xi32, #tpu.memory_space<hbm>>
        %dma_start3A_375 = tpu.memref_slice %arg4[%multiple_of3A_371] : memref<320000xi32, #tpu.memory_space<hbm>> -> memref<64xi32, #tpu.memory_space<hbm>>
        tpu.enqueue_dma source(%dma_start3A_375 : memref<64xi32, #tpu.memory_space<hbm>>) target(%arg15 : memref<64xi32, #tpu.memory_space<vmem>>) target_semaphore(%arg31 : memref<!tpu.dma_semaphore, #tpu.memory_space<semaphore_mem>>)
      } else {
      }
      %scan3A_365 = arith.constant 0 : i32
      scf.yield %scan3A_365 : i32
    }
    %scan3A_160 = arith.constant 52 : i32
    %dma_wait3A_161 = arith.constant 0 : i32
    %dma_wait3A_162 = arith.constant 0 : i32
    %dma_wait3A_163 = tpu.memref_slice %arg24[%dma_wait3A_161, %dma_wait3A_162] : memref<10240x128xf32, #tpu.memory_space<vmem_shared>> -> memref<10240x128xf32, #tpu.memory_space<vmem_shared>>
    tpu.wait_indirect_dma semaphore(%arg32 : memref<!tpu.dma_semaphore, #tpu.memory_space<semaphore_mem>>) src(%arg10 : memref<64x128xf32, #tpu.memory_space<vmem>>) dst(%dma_wait3A_163 : memref<10240x128xf32, #tpu.memory_space<vmem_shared>>)
    %dma_wait3A_164 = arith.constant 0 : i32
    %dma_wait3A_165 = arith.constant 0 : i32
    %dma_wait3A_166 = tpu.memref_slice %arg24[%dma_wait3A_164, %dma_wait3A_165] : memref<10240x128xf32, #tpu.memory_space<vmem_shared>> -> memref<10240x128xf32, #tpu.memory_space<vmem_shared>>
    tpu.wait_indirect_dma semaphore(%arg33 : memref<!tpu.dma_semaphore, #tpu.memory_space<semaphore_mem>>) src(%arg13 : memref<64x128xf32, #tpu.memory_space<vmem>>) dst(%dma_wait3A_166 : memref<10240x128xf32, #tpu.memory_space<vmem_shared>>)
    %dma_wait3A_167 = arith.constant 0 : i32
    %dma_wait3A_168 = arith.constant 0 : i32
    %dma_wait3A_169 = tpu.memref_slice %arg24[%dma_wait3A_167, %dma_wait3A_168] : memref<10240x128xf32, #tpu.memory_space<vmem_shared>> -> memref<10240x128xf32, #tpu.memory_space<vmem_shared>>
    tpu.wait_indirect_dma semaphore(%arg34 : memref<!tpu.dma_semaphore, #tpu.memory_space<semaphore_mem>>) src(%arg16 : memref<64x128xf32, #tpu.memory_space<vmem>>) dst(%dma_wait3A_169 : memref<10240x128xf32, #tpu.memory_space<vmem_shared>>)
    %add3A_170 = arith.constant 9984 : i32
    %add3A_171 = arith.addi %mul3A_3, %add3A_170 : i32
    %multiple_of3A_172 = tpu.assume_multiple %add3A_171, 8 : i32
    "tpu.region"() ({
      %run_scoped3A = tpu.sem_alloc : memref<!tpu.dma_semaphore, #tpu.memory_space<semaphore_mem>>
      %dma_start3A_189 = tpu.memref_slice %arg3[%multiple_of3A_172] : memref<320000xi32, #tpu.memory_space<hbm>> -> memref<16xi32, #tpu.memory_space<hbm>>
      %dma_start3A_190 = tpu.memref_slice %arg3[%multiple_of3A_172] : memref<320000xi32, #tpu.memory_space<hbm>> -> memref<16xi32, #tpu.memory_space<hbm>>
      tpu.enqueue_dma source(%dma_start3A_190 : memref<16xi32, #tpu.memory_space<hbm>>) target(%arg17 : memref<16xi32, #tpu.memory_space<vmem>>) target_semaphore(%run_scoped3A : memref<!tpu.dma_semaphore, #tpu.memory_space<semaphore_mem>>)
      %dma_wait3A_191 = tpu.memref_slice %arg3[%multiple_of3A_172] : memref<320000xi32, #tpu.memory_space<hbm>> -> memref<16xi32, #tpu.memory_space<hbm>>
      %dma_wait3A_192 = tpu.memref_slice %arg3[%multiple_of3A_172] : memref<320000xi32, #tpu.memory_space<hbm>> -> memref<16xi32, #tpu.memory_space<hbm>>
      tpu.wait_dma2 semaphore(%run_scoped3A : memref<!tpu.dma_semaphore, #tpu.memory_space<semaphore_mem>>) src(%dma_wait3A_192 : memref<16xi32, #tpu.memory_space<hbm>>) dst(%arg17 : memref<16xi32, #tpu.memory_space<vmem>>)
      tpu.yield
    }) : () -> ()
    "tpu.region"() ({
      %run_scoped3A = tpu.sem_alloc : memref<!tpu.dma_semaphore, #tpu.memory_space<semaphore_mem>>
      %dma_start3A_189 = tpu.memref_slice %arg4[%multiple_of3A_172] : memref<320000xi32, #tpu.memory_space<hbm>> -> memref<16xi32, #tpu.memory_space<hbm>>
      %dma_start3A_190 = tpu.memref_slice %arg4[%multiple_of3A_172] : memref<320000xi32, #tpu.memory_space<hbm>> -> memref<16xi32, #tpu.memory_space<hbm>>
      tpu.enqueue_dma source(%dma_start3A_190 : memref<16xi32, #tpu.memory_space<hbm>>) target(%arg18 : memref<16xi32, #tpu.memory_space<vmem>>) target_semaphore(%run_scoped3A : memref<!tpu.dma_semaphore, #tpu.memory_space<semaphore_mem>>)
      %dma_wait3A_191 = tpu.memref_slice %arg4[%multiple_of3A_172] : memref<320000xi32, #tpu.memory_space<hbm>> -> memref<16xi32, #tpu.memory_space<hbm>>
      %dma_wait3A_192 = tpu.memref_slice %arg4[%multiple_of3A_172] : memref<320000xi32, #tpu.memory_space<hbm>> -> memref<16xi32, #tpu.memory_space<hbm>>
      tpu.wait_dma2 semaphore(%run_scoped3A : memref<!tpu.dma_semaphore, #tpu.memory_space<semaphore_mem>>) src(%dma_wait3A_192 : memref<16xi32, #tpu.memory_space<hbm>>) dst(%arg18 : memref<16xi32, #tpu.memory_space<vmem>>)
      tpu.yield
    }) : () -> ()
    %dma_start3A_173 = arith.constant 0 : i32
    %dma_start3A_174 = arith.constant 0 : i32
    %dma_start3A_175 = tpu.memref_slice %arg10[%dma_start3A_173, %dma_start3A_174] : memref<64x128xf32, #tpu.memory_space<vmem>> -> memref<16x128xf32, #tpu.memory_space<vmem>>
    %dma_start3A_176 = arith.constant 0 : i32
    %dma_start3A_177 = arith.constant 0 : i32
    %dma_start3A_178 = tpu.memref_slice %arg2[%dma_start3A_176, %dma_start3A_177] : memref<10240x128xf32, #tpu.memory_space<hbm>> -> memref<10240x128xf32, #tpu.memory_space<hbm>>
    tpu.enqueue_indirect_dma source(%dma_start3A_178 : memref<10240x128xf32, #tpu.memory_space<hbm>>) target(%dma_start3A_175 : memref<16x128xf32, #tpu.memory_space<vmem>>) offsets(%arg17 : memref<16xi32, #tpu.memory_space<vmem>>) semaphore(%arg28 : memref<!tpu.dma_semaphore, #tpu.memory_space<semaphore_mem>>)
    %get3A = arith.constant 0 : index
    %get3A_179 = tpu.vector_load %arg17[%get3A] {strides = array<i32>} : memref<16xi32, #tpu.memory_space<vmem>>, vector<16xi32>,
    %get3A_180 = arith.constant 0 : index
    %get3A_181 = tpu.vector_load %arg18[%get3A_180] {strides = array<i32>} : memref<16xi32, #tpu.memory_space<vmem>>, vector<16xi32>,
    %gather3A = tpu.vector_load_idx %arg22[%get3A_181] : memref<10240xf32, #tpu.memory_space<vmem>>[vector<16xi32>], vector<16xf32>,
    tpu.vector_store_idx %arg23[%get3A_179], %gather3A {add = true} : memref<10240xf32, #tpu.memory_space<vmem>>[vector<16xi32>], vector<16xf32>,
    %dma_wait3A_182 = arith.constant 0 : i32
    %dma_wait3A_183 = arith.constant 0 : i32
    %dma_wait3A_184 = tpu.memref_slice %arg10[%dma_wait3A_182, %dma_wait3A_183] : memref<64x128xf32, #tpu.memory_space<vmem>> -> memref<16x128xf32, #tpu.memory_space<vmem>>
    %dma_wait3A_185 = arith.constant 0 : i32
    %dma_wait3A_186 = arith.constant 0 : i32
    %dma_wait3A_187 = tpu.memref_slice %arg2[%dma_wait3A_185, %dma_wait3A_186] : memref<10240x128xf32, #tpu.memory_space<hbm>> -> memref<10240x128xf32, #tpu.memory_space<hbm>>
    tpu.wait_indirect_dma semaphore(%arg28 : memref<!tpu.dma_semaphore, #tpu.memory_space<semaphore_mem>>) src(%dma_wait3A_187 : memref<10240x128xf32, #tpu.memory_space<hbm>>) dst(%dma_wait3A_184 : memref<16x128xf32, #tpu.memory_space<vmem>>)
    "tpu.region"() ({
      %run_scoped3A = tpu.sem_alloc : memref<!tpu.dma_semaphore, #tpu.memory_space<semaphore_mem>>
      %dma_start3A_189 = arith.constant 0 : i32
      %dma_start3A_190 = arith.constant 0 : i32
      %dma_start3A_191 = tpu.memref_slice %arg10[%dma_start3A_189, %dma_start3A_190] : memref<64x128xf32, #tpu.memory_space<vmem>> -> memref<16x128xf32, #tpu.memory_space<vmem>>
      %dma_start3A_192 = arith.constant 0 : i32
      %dma_start3A_193 = arith.constant 0 : i32
      %dma_start3A_194 = tpu.memref_slice %arg24[%dma_start3A_192, %dma_start3A_193] : memref<10240x128xf32, #tpu.memory_space<vmem_shared>> -> memref<10240x128xf32, #tpu.memory_space<vmem_shared>>
      tpu.enqueue_indirect_dma source(%dma_start3A_191 : memref<16x128xf32, #tpu.memory_space<vmem>>) target(%dma_start3A_194 : memref<10240x128xf32, #tpu.memory_space<vmem_shared>>) offsets(%arg18 : memref<16xi32, #tpu.memory_space<vmem>>) semaphore(%run_scoped3A : memref<!tpu.dma_semaphore, #tpu.memory_space<semaphore_mem>>) {add = true}
      %dma_wait3A_195 = arith.constant 0 : i32
      %dma_wait3A_196 = arith.constant 0 : i32
      %dma_wait3A_197 = tpu.memref_slice %arg10[%dma_wait3A_195, %dma_wait3A_196] : memref<64x128xf32, #tpu.memory_space<vmem>> -> memref<16x128xf32, #tpu.memory_space<vmem>>
      %dma_wait3A_198 = arith.constant 0 : i32
      %dma_wait3A_199 = arith.constant 0 : i32
      %dma_wait3A_200 = tpu.memref_slice %arg24[%dma_wait3A_198, %dma_wait3A_199] : memref<10240x128xf32, #tpu.memory_space<vmem_shared>> -> memref<10240x128xf32, #tpu.memory_space<vmem_shared>>
      tpu.wait_indirect_dma semaphore(%run_scoped3A : memref<!tpu.dma_semaphore, #tpu.memory_space<semaphore_mem>>) src(%dma_wait3A_197 : memref<16x128xf32, #tpu.memory_space<vmem>>) dst(%dma_wait3A_200 : memref<10240x128xf32, #tpu.memory_space<vmem_shared>>)
      tpu.yield
    }) : () -> ()
    %barrier3A_188 = arith.constant 0 : index
    tpu.barrier barrier_id(%barrier3A_188)
    "tpu.region"() ({
      %run_scoped3A = tpu.sem_alloc : memref<!tpu.dma_semaphore, #tpu.memory_space<semaphore_mem>>
      %dma_start3A_189 = arith.constant 0 : i32
      %dma_start3A_190 = tpu.memref_slice %arg6[%arg0, %multiple_of3A, %dma_start3A_189] : memref<2x10240x128xf32, #tpu.memory_space<hbm>> -> memref<1x640x128xf32, #tpu.memory_space<hbm>>
      %dma_start3A_191 = tpu.memref_squeeze %dma_start3A_190 : memref<1x640x128xf32, #tpu.memory_space<hbm>> -> memref<640x128xf32, #tpu.memory_space<hbm>>
      %dma_start3A_192 = arith.constant 0 : i32
      %dma_start3A_193 = tpu.memref_slice %arg24[%multiple_of3A, %dma_start3A_192] : memref<10240x128xf32, #tpu.memory_space<vmem_shared>> -> memref<640x128xf32, #tpu.memory_space<vmem_shared>>
      tpu.enqueue_dma source(%dma_start3A_193 : memref<640x128xf32, #tpu.memory_space<vmem_shared>>) target(%dma_start3A_191 : memref<640x128xf32, #tpu.memory_space<hbm>>) target_semaphore(%run_scoped3A : memref<!tpu.dma_semaphore, #tpu.memory_space<semaphore_mem>>)
      %dma_wait3A_194 = arith.constant 0 : i32
      %dma_wait3A_195 = tpu.memref_slice %arg6[%arg0, %multiple_of3A, %dma_wait3A_194] : memref<2x10240x128xf32, #tpu.memory_space<hbm>> -> memref<1x640x128xf32, #tpu.memory_space<hbm>>
      %dma_wait3A_196 = tpu.memref_squeeze %dma_wait3A_195 : memref<1x640x128xf32, #tpu.memory_space<hbm>> -> memref<640x128xf32, #tpu.memory_space<hbm>>
      %dma_wait3A_197 = arith.constant 0 : i32
      %dma_wait3A_198 = tpu.memref_slice %arg24[%multiple_of3A, %dma_wait3A_197] : memref<10240x128xf32, #tpu.memory_space<vmem_shared>> -> memref<640x128xf32, #tpu.memory_space<vmem_shared>>
      tpu.wait_dma2 semaphore(%run_scoped3A : memref<!tpu.dma_semaphore, #tpu.memory_space<semaphore_mem>>) src(%dma_wait3A_198 : memref<640x128xf32, #tpu.memory_space<vmem_shared>>) dst(%dma_wait3A_196 : memref<640x128xf32, #tpu.memory_space<hbm>>)
      tpu.yield
    }) : () -> ()
    "tpu.region"() ({
      %run_scoped3A = tpu.sem_alloc : memref<!tpu.dma_semaphore, #tpu.memory_space<semaphore_mem>>
      %dma_start3A_189 = arith.constant 0 : i32
      %dma_start3A_190 = tpu.memref_slice %arg7[%add3A, %dma_start3A_189] : memref<32x10240xf32, #tpu.memory_space<hbm>> -> memref<1x10240xf32, #tpu.memory_space<hbm>>
      %dma_start3A_191 = tpu.memref_squeeze %dma_start3A_190 : memref<1x10240xf32, #tpu.memory_space<hbm>> -> memref<10240xf32, #tpu.memory_space<hbm>>
      %dma_start3A_192 = arith.constant 0 : i32
      %dma_start3A_193 = tpu.memref_slice %arg7[%add3A, %dma_start3A_192] : memref<32x10240xf32, #tpu.memory_space<hbm>> -> memref<1x10240xf32, #tpu.memory_space<hbm>>
      %dma_start3A_194 = tpu.memref_squeeze %dma_start3A_193 : memref<1x10240xf32, #tpu.memory_space<hbm>> -> memref<10240xf32, #tpu.memory_space<hbm>>
      tpu.enqueue_dma source(%arg23 : memref<10240xf32, #tpu.memory_space<vmem>>) target(%dma_start3A_194 : memref<10240xf32, #tpu.memory_space<hbm>>) target_semaphore(%run_scoped3A : memref<!tpu.dma_semaphore, #tpu.memory_space<semaphore_mem>>)
      %dma_wait3A_195 = arith.constant 0 : i32
      %dma_wait3A_196 = tpu.memref_slice %arg7[%add3A, %dma_wait3A_195] : memref<32x10240xf32, #tpu.memory_space<hbm>> -> memref<1x10240xf32, #tpu.memory_space<hbm>>
      %dma_wait3A_197 = tpu.memref_squeeze %dma_wait3A_196 : memref<1x10240xf32, #tpu.memory_space<hbm>> -> memref<10240xf32, #tpu.memory_space<hbm>>
      %dma_wait3A_198 = arith.constant 0 : i32
      %dma_wait3A_199 = tpu.memref_slice %arg7[%add3A, %dma_wait3A_198] : memref<32x10240xf32, #tpu.memory_space<hbm>> -> memref<1x10240xf32, #tpu.memory_space<hbm>>
      %dma_wait3A_200 = tpu.memref_squeeze %dma_wait3A_199 : memref<1x10240xf32, #tpu.memory_space<hbm>> -> memref<10240xf32, #tpu.memory_space<hbm>>
      tpu.wait_dma2 semaphore(%run_scoped3A : memref<!tpu.dma_semaphore, #tpu.memory_space<semaphore_mem>>) src(%arg23 : memref<10240xf32, #tpu.memory_space<vmem>>) dst(%dma_wait3A_200 : memref<10240xf32, #tpu.memory_space<hbm>>)
      tpu.yield
    }) : () -> ()
    return
  }
}

module attributes {stable_mosaic.version = 14 : i64} {
  func.func @_k2_body(%arg0: i32, %arg1: memref<32x1024xf32, #tpu.memory_space<vmem>>, %arg2: memref<32x1024xf32, #tpu.memory_space<vmem>>, %arg3: memref<1024x128xf32, #tpu.memory_space<vmem>>, %arg4: memref<1024x128xf32, #tpu.memory_space<vmem>>, %arg5: memref<1x1024xf32, #tpu.memory_space<vmem>>, %arg6: memref<1x1024xf32, #tpu.memory_space<vmem>>) attributes {dimension_semantics = [#tpu.dimension_semantics<arbitrary>], iteration_bounds = array<i64: 10>, scalar_prefetch = 0 : i64, scratch_operands = 0 : i64, tpu.core_type = #tpu.core_type<tc>, window_params = [{transform_indices = @transform_0, window_bounds = array<i64: 32, 1024>}, {transform_indices = @transform_1, window_bounds = array<i64: 32, 1024>}, {transform_indices = @transform_2, window_bounds = array<i64: 1024, 128>}, {transform_indices = @transform_3, window_bounds = array<i64: 1024, 128>}, {transform_indices = @transform_4, window_bounds = array<i64: 1, 1024>}, {transform_indices = @transform_5, window_bounds = array<i64: 1, 1024>}]} {
    %get3A = arith.constant 0 : index
    %get3A_0 = arith.constant 0 : index
    %get3A_1 = vector.load %arg1[%get3A, %get3A_0] : memref<32x1024xf32, #tpu.memory_space<vmem>>, vector<32x1024xf32>
    %reduce_sum3A = arith.constant dense<0.000000e+00> : vector<1024xf32>
    %reduce_sum3A_2 = vector.multi_reduction <add>, %get3A_1, %reduce_sum3A [0] : vector<32x1024xf32> to vector<1024xf32>
    %get3A_3 = arith.constant 0 : index
    %get3A_4 = arith.constant 0 : index
    %get3A_5 = vector.load %arg2[%get3A_3, %get3A_4] : memref<32x1024xf32, #tpu.memory_space<vmem>>, vector<32x1024xf32>
    %reduce_sum3A_6 = arith.constant dense<0.000000e+00> : vector<1024xf32>
    %reduce_sum3A_7 = vector.multi_reduction <add>, %get3A_5, %reduce_sum3A_6 [0] : vector<32x1024xf32> to vector<1024xf32>
    %gt3A = arith.constant 0.000000e+00 : f32
    %gt3A_8 = vector.broadcast %gt3A : f32 to vector<1024xf32>
    %gt3A_9 = arith.cmpf ogt, %reduce_sum3A_2, %gt3A_8 : vector<1024xf32>
    %jit3A = arith.constant 1.000000e+00 : f32
    %broadcast_in_dim3A = vector.broadcast %jit3A : f32 to vector<1024xf32>
    %select_n3A = arith.select %gt3A_9, %reduce_sum3A_2, %broadcast_in_dim3A : vector<1024xi1>, vector<1024xf32>
    %rsqrt3A = math.rsqrt %select_n3A : vector<1024xf32>
    %gt3A_10 = arith.constant 0.000000e+00 : f32
    %gt3A_11 = vector.broadcast %gt3A_10 : f32 to vector<1024xf32>
    %gt3A_12 = arith.cmpf ogt, %reduce_sum3A_7, %gt3A_11 : vector<1024xf32>
    %jit3A_13 = arith.constant 1.000000e+00 : f32
    %broadcast_in_dim3A_14 = vector.broadcast %jit3A_13 : f32 to vector<1024xf32>
    %select_n3A_15 = arith.select %gt3A_12, %reduce_sum3A_7, %broadcast_in_dim3A_14 : vector<1024xi1>, vector<1024xf32>
    %rsqrt3A_16 = math.rsqrt %select_n3A_15 : vector<1024xf32>
    %broadcast_in_dim3A_17 = vector.shape_cast %rsqrt3A : vector<1024xf32> to vector<1x1024xf32>
    %swap3A = arith.constant 0 : index
    %swap3A_18 = arith.constant 0 : index
    %swap3A_19 = vector.load %arg5[%swap3A, %swap3A_18] : memref<1x1024xf32, #tpu.memory_space<vmem>>, vector<1x1024xf32>
    tpu.vector_store %arg5[%swap3A, %swap3A_18], %broadcast_in_dim3A_17 {strides = array<i32>} : memref<1x1024xf32, #tpu.memory_space<vmem>>, vector<1x1024xf32>,
    %broadcast_in_dim3A_20 = vector.shape_cast %rsqrt3A_16 : vector<1024xf32> to vector<1x1024xf32>
    %swap3A_21 = arith.constant 0 : index
    %swap3A_22 = arith.constant 0 : index
    %swap3A_23 = vector.load %arg6[%swap3A_21, %swap3A_22] : memref<1x1024xf32, #tpu.memory_space<vmem>>, vector<1x1024xf32>
    tpu.vector_store %arg6[%swap3A_21, %swap3A_22], %broadcast_in_dim3A_20 {strides = array<i32>} : memref<1x1024xf32, #tpu.memory_space<vmem>>, vector<1x1024xf32>,
    %get3A_24 = arith.constant 0 : index
    %get3A_25 = arith.constant 0 : index
    %get3A_26 = vector.load %arg3[%get3A_24, %get3A_25] : memref<1024x128xf32, #tpu.memory_space<vmem>>, vector<1024x128xf32>
    %broadcast_in_dim3A_27 = vector.shape_cast %rsqrt3A : vector<1024xf32> to vector<1024x1xf32>
    %mul3A = vector.broadcast %broadcast_in_dim3A_27 : vector<1024x1xf32> to vector<1024x128xf32>
    %mul3A_28 = arith.mulf %get3A_26, %mul3A : vector<1024x128xf32>
    %swap3A_29 = arith.constant 0 : index
    %swap3A_30 = arith.constant 0 : index
    %swap3A_31 = vector.load %arg4[%swap3A_29, %swap3A_30] : memref<1024x128xf32, #tpu.memory_space<vmem>>, vector<1024x128xf32>
    tpu.vector_store %arg4[%swap3A_29, %swap3A_30], %mul3A_28 {strides = array<i32>} : memref<1024x128xf32, #tpu.memory_space<vmem>>, vector<1024x128xf32>,
    return
  }
  func.func @transform_0(%arg0: i32) -> (i32, i32) {
    %c0_i32 = arith.constant 0 : i32
    %c0_i32_0 = arith.constant 0 : i32
    return %c0_i32, %arg0 : i32, i32
  }
  func.func @transform_1(%arg0: i32) -> (i32, i32) {
    %c0_i32 = arith.constant 0 : i32
    %c0_i32_0 = arith.constant 0 : i32
    return %c0_i32, %arg0 : i32, i32
  }
  func.func @transform_2(%arg0: i32) -> (i32, i32) {
    %c0_i32 = arith.constant 0 : i32
    %c0_i32_0 = arith.constant 0 : i32
    return %arg0, %c0_i32 : i32, i32
  }
  func.func @transform_3(%arg0: i32) -> (i32, i32) {
    %c0_i32 = arith.constant 0 : i32
    %c0_i32_0 = arith.constant 0 : i32
    return %arg0, %c0_i32 : i32, i32
  }
  func.func @transform_4(%arg0: i32) -> (i32, i32) {
    %c0_i32 = arith.constant 0 : i32
    %c0_i32_0 = arith.constant 0 : i32
    return %c0_i32, %arg0 : i32, i32
  }
  func.func @transform_5(%arg0: i32) -> (i32, i32) {
    %c0_i32 = arith.constant 0 : i32
    %c0_i32_0 = arith.constant 0 : i32
    return %c0_i32, %arg0 : i32, i32
  }
}

module attributes {stable_mosaic.version = 14 : i64} {
  func.func @_k4_body(%arg0: i32, %arg1: memref<2x1024x128xf32, #tpu.memory_space<vmem>>, %arg2: memref<32x1024xf32, #tpu.memory_space<vmem>>, %arg3: memref<1x1024xf32, #tpu.memory_space<vmem>>, %arg4: memref<1x1024xf32, #tpu.memory_space<vmem>>, %arg5: memref<128x128xf32, #tpu.memory_space<vmem>>, %arg6: memref<1x128xf32, #tpu.memory_space<vmem>>, %arg7: memref<128x128xf32, #tpu.memory_space<vmem>>, %arg8: memref<1x128xf32, #tpu.memory_space<vmem>>, %arg9: memref<1x128xf32, #tpu.memory_space<vmem>>, %arg10: memref<1x128xf32, #tpu.memory_space<vmem>>) attributes {dimension_semantics = [#tpu.dimension_semantics<arbitrary>], iteration_bounds = array<i64: 10>, scalar_prefetch = 0 : i64, scratch_operands = 1 : i64, tpu.core_type = #tpu.core_type<tc>, window_params = [{transform_indices = @transform_0, window_bounds = array<i64: 2, 1024, 128>}, {transform_indices = @transform_1, window_bounds = array<i64: 32, 1024>}, {transform_indices = @transform_2, window_bounds = array<i64: 1, 1024>}, {transform_indices = @transform_3, window_bounds = array<i64: 1, 1024>}, {pipeline_mode = #tpu.pipeline_mode<synchronous>, transform_indices = @transform_4, window_bounds = array<i64: 128, 128>}, {pipeline_mode = #tpu.pipeline_mode<synchronous>, transform_indices = @transform_5, window_bounds = array<i64: 1, 128>}, {pipeline_mode = #tpu.pipeline_mode<synchronous>, transform_indices = @transform_6, window_bounds = array<i64: 128, 128>}, {pipeline_mode = #tpu.pipeline_mode<synchronous>, transform_indices = @transform_7, window_bounds = array<i64: 1, 128>}, {pipeline_mode = #tpu.pipeline_mode<synchronous>, transform_indices = @transform_8, window_bounds = array<i64: 1, 128>}]} {
    %eq3A = arith.constant 0 : i32
    %eq3A_0 = arith.cmpi eq, %arg0, %eq3A : i32
    %convert_element_type3A = arith.extui %eq3A_0 : i1 to i32
    %cond3A = arith.constant 0 : i32
    %cond3A_1 = arith.cmpi ne, %convert_element_type3A, %cond3A : i32
    scf.if %cond3A_1 {
      %broadcast_in_dim3A_49 = arith.constant 0.000000e+00 : f32
      %broadcast_in_dim3A_50 = vector.broadcast %broadcast_in_dim3A_49 : f32 to vector<1x128xf32>
      %swap3A_51 = arith.constant 0 : index
      %swap3A_52 = arith.constant 0 : index
      %swap3A_53 = vector.load %arg10[%swap3A_51, %swap3A_52] : memref<1x128xf32, #tpu.memory_space<vmem>>, vector<1x128xf32>
      tpu.vector_store %arg10[%swap3A_51, %swap3A_52], %broadcast_in_dim3A_50 {strides = array<i32>} : memref<1x128xf32, #tpu.memory_space<vmem>>, vector<1x128xf32>,
    } else {
    }
    %get3A = arith.constant 0 : index
    %get3A_2 = arith.constant 0 : index
    %get3A_3 = arith.constant 0 : index
    %get3A_4 = vector.load %arg1[%get3A, %get3A_2, %get3A_3] : memref<2x1024x128xf32, #tpu.memory_space<vmem>>, vector<1x1024x128xf32>
    %get3A_5 = vector.shape_cast %get3A_4 : vector<1x1024x128xf32> to vector<1024x128xf32>
    %get3A_6 = arith.constant 1 : index
    %get3A_7 = arith.constant 0 : index
    %get3A_8 = arith.constant 0 : index
    %get3A_9 = vector.load %arg1[%get3A_6, %get3A_7, %get3A_8] : memref<2x1024x128xf32, #tpu.memory_space<vmem>>, vector<1x1024x128xf32>
    %get3A_10 = vector.shape_cast %get3A_9 : vector<1x1024x128xf32> to vector<1024x128xf32>
    %add3A = arith.addf %get3A_5, %get3A_10 : vector<1024x128xf32>
    %get3A_11 = arith.constant 0 : index
    %get3A_12 = arith.constant 0 : index
    %get3A_13 = vector.load %arg5[%get3A_11, %get3A_12] : memref<128x128xf32, #tpu.memory_space<vmem>>, vector<128x128xf32>
    %dot_general3A = arith.constant dense<0.000000e+00> : vector<1024x128xf32>
    %dot_general3A_14 = tpu.matmul %add3A, %get3A_13, %dot_general3A {dimension_numbers = #tpu.dot_dimension_numbers<[1], [0], [0], [1], [0, 0, 1, 1], [], []>, transpose_lhs_hint = false} : vector<1024x128xf32>, vector<128x128xf32>, vector<1024x128xf32> -> vector<1024x128xf32>
    %get3A_15 = arith.constant 0 : index
    %get3A_16 = arith.constant 0 : index
    %get3A_17 = vector.load %arg4[%get3A_15, %get3A_16] : memref<1x1024xf32, #tpu.memory_space<vmem>>, vector<1x1024xf32>
    %get3A_18 = vector.shape_cast %get3A_17 : vector<1x1024xf32> to vector<1024xf32>
    %broadcast_in_dim3A = vector.shape_cast %get3A_18 : vector<1024xf32> to vector<1024x1xf32>
    %mul3A = vector.broadcast %broadcast_in_dim3A : vector<1024x1xf32> to vector<1024x128xf32>
    %mul3A_19 = arith.mulf %dot_general3A_14, %mul3A : vector<1024x128xf32>
    %get3A_20 = arith.constant 0 : index
    %get3A_21 = arith.constant 0 : index
    %get3A_22 = vector.load %arg6[%get3A_20, %get3A_21] : memref<1x128xf32, #tpu.memory_space<vmem>>, vector<1x128xf32>
    %add3A_23 = vector.broadcast %get3A_22 : vector<1x128xf32> to vector<1024x128xf32>
    %add3A_24 = arith.addf %mul3A_19, %add3A_23 : vector<1024x128xf32>
    %max3A = arith.constant 0.000000e+00 : f32
    %max3A_25 = vector.broadcast %max3A : f32 to vector<1024x128xf32>
    %max3A_26 = arith.maximumf %add3A_24, %max3A_25 : vector<1024x128xf32>
    %get3A_27 = arith.constant 0 : index
    %get3A_28 = arith.constant 0 : index
    %get3A_29 = vector.load %arg3[%get3A_27, %get3A_28] : memref<1x1024xf32, #tpu.memory_space<vmem>>, vector<1x1024xf32>
    %get3A_30 = arith.constant 0 : index
    %get3A_31 = arith.constant 0 : index
    %get3A_32 = vector.load %arg2[%get3A_30, %get3A_31] : memref<32x1024xf32, #tpu.memory_space<vmem>>, vector<32x1024xf32>
    %reduce_sum3A = arith.constant dense<0.000000e+00> : vector<1024xf32>
    %reduce_sum3A_33 = vector.multi_reduction <add>, %get3A_32, %reduce_sum3A [0] : vector<32x1024xf32> to vector<1024xf32>
    %broadcast_in_dim3A_34 = vector.shape_cast %reduce_sum3A_33 : vector<1024xf32> to vector<1x1024xf32>
    %mul3A_35 = arith.mulf %get3A_29, %broadcast_in_dim3A_34 : vector<1x1024xf32>
    %get3A_36 = arith.constant 0 : index
    %get3A_37 = arith.constant 0 : index
    %get3A_38 = vector.load %arg10[%get3A_36, %get3A_37] : memref<1x128xf32, #tpu.memory_space<vmem>>, vector<1x128xf32>
    %dot_general3A_39 = arith.constant dense<0.000000e+00> : vector<1x128xf32>
    %dot_general3A_40 = tpu.matmul %mul3A_35, %max3A_26, %dot_general3A_39 {dimension_numbers = #tpu.dot_dimension_numbers<[1], [0], [0], [1], [0, 0, 1, 1], [], []>, transpose_lhs_hint = false} : vector<1x1024xf32>, vector<1024x128xf32>, vector<1x128xf32> -> vector<1x128xf32>
    %add3A_41 = arith.addf %get3A_38, %dot_general3A_40 : vector<1x128xf32>
    %swap3A = arith.constant 0 : index
    %swap3A_42 = arith.constant 0 : index
    %swap3A_43 = vector.load %arg10[%swap3A, %swap3A_42] : memref<1x128xf32, #tpu.memory_space<vmem>>, vector<1x128xf32>
    tpu.vector_store %arg10[%swap3A, %swap3A_42], %add3A_41 {strides = array<i32>} : memref<1x128xf32, #tpu.memory_space<vmem>>, vector<1x128xf32>,
    %eq3A_44 = arith.constant 9 : i32
    %eq3A_45 = arith.cmpi eq, %arg0, %eq3A_44 : i32
    %convert_element_type3A_46 = arith.extui %eq3A_45 : i1 to i32
    %cond3A_47 = arith.constant 0 : i32
    %cond3A_48 = arith.cmpi ne, %convert_element_type3A_46, %cond3A_47 : i32
    scf.if %cond3A_48 {
      %get3A_49 = arith.constant 0 : index
      %get3A_50 = arith.constant 0 : index
      %get3A_51 = vector.load %arg10[%get3A_49, %get3A_50] : memref<1x128xf32, #tpu.memory_space<vmem>>, vector<1x128xf32>
      %mul3A_52 = arith.constant 9.99999974E-5 : f32
      %mul3A_53 = vector.broadcast %mul3A_52 : f32 to vector<1x128xf32>
      %mul3A_54 = arith.mulf %get3A_51, %mul3A_53 : vector<1x128xf32>
      %get3A_55 = arith.constant 0 : index
      %get3A_56 = arith.constant 0 : index
      %get3A_57 = vector.load %arg7[%get3A_55, %get3A_56] : memref<128x128xf32, #tpu.memory_space<vmem>>, vector<128x128xf32>
      %dot_general3A_58 = arith.constant dense<0.000000e+00> : vector<1x128xf32>
      %dot_general3A_59 = tpu.matmul %mul3A_54, %get3A_57, %dot_general3A_58 {dimension_numbers = #tpu.dot_dimension_numbers<[1], [0], [0], [1], [0, 0, 1, 1], [], []>, transpose_lhs_hint = false} : vector<1x128xf32>, vector<128x128xf32>, vector<1x128xf32> -> vector<1x128xf32>
      %get3A_60 = arith.constant 0 : index
      %get3A_61 = arith.constant 0 : index
      %get3A_62 = vector.load %arg8[%get3A_60, %get3A_61] : memref<1x128xf32, #tpu.memory_space<vmem>>, vector<1x128xf32>
      %add3A_63 = arith.addf %dot_general3A_59, %get3A_62 : vector<1x128xf32>
      %swap3A_64 = arith.constant 0 : index
      %swap3A_65 = arith.constant 0 : index
      %swap3A_66 = vector.load %arg9[%swap3A_64, %swap3A_65] : memref<1x128xf32, #tpu.memory_space<vmem>>, vector<1x128xf32>
      tpu.vector_store %arg9[%swap3A_64, %swap3A_65], %add3A_63 {strides = array<i32>} : memref<1x128xf32, #tpu.memory_space<vmem>>, vector<1x128xf32>,
    } else {
    }
    return
  }
  func.func @transform_0(%arg0: i32) -> (i32, i32, i32) {
    %c0_i32 = arith.constant 0 : i32
    %c0_i32_0 = arith.constant 0 : i32
    %c0_i32_1 = arith.constant 0 : i32
    return %c0_i32, %arg0, %c0_i32_0 : i32, i32, i32
  }
  func.func @transform_1(%arg0: i32) -> (i32, i32) {
    %c0_i32 = arith.constant 0 : i32
    %c0_i32_0 = arith.constant 0 : i32
    return %c0_i32, %arg0 : i32, i32
  }
  func.func @transform_2(%arg0: i32) -> (i32, i32) {
    %c0_i32 = arith.constant 0 : i32
    %c0_i32_0 = arith.constant 0 : i32
    return %c0_i32, %arg0 : i32, i32
  }
  func.func @transform_3(%arg0: i32) -> (i32, i32) {
    %c0_i32 = arith.constant 0 : i32
    %c0_i32_0 = arith.constant 0 : i32
    return %c0_i32, %arg0 : i32, i32
  }
  func.func @transform_4(%arg0: i32) -> (i32, i32) {
    %c0_i32 = arith.constant 0 : i32
    %c0_i32_0 = arith.constant 0 : i32
    %c0_i32_1 = arith.constant 0 : i32
    return %c0_i32, %c0_i32_0 : i32, i32
  }
  func.func @transform_5(%arg0: i32) -> (i32, i32) {
    %c0_i32 = arith.constant 0 : i32
    %c0_i32_0 = arith.constant 0 : i32
    %c0_i32_1 = arith.constant 0 : i32
    return %c0_i32, %c0_i32_0 : i32, i32
  }
  func.func @transform_6(%arg0: i32) -> (i32, i32) {
    %c0_i32 = arith.constant 0 : i32
    %c0_i32_0 = arith.constant 0 : i32
    %c0_i32_1 = arith.constant 0 : i32
    return %c0_i32, %c0_i32_0 : i32, i32
  }
  func.func @transform_7(%arg0: i32) -> (i32, i32) {
    %c0_i32 = arith.constant 0 : i32
    %c0_i32_0 = arith.constant 0 : i32
    %c0_i32_1 = arith.constant 0 : i32
    return %c0_i32, %c0_i32_0 : i32, i32
  }
  func.func @transform_8(%arg0: i32) -> (i32, i32) {
    %c0_i32 = arith.constant 0 : i32
    %c0_i32_0 = arith.constant 0 : i32
    %c0_i32_1 = arith.constant 0 : i32
    return %c0_i32, %c0_i32_0 : i32, i32
  }
}

</mosaic_0001>

<sc_bundles>
// kernel: kernel.6.cloned.1.call-start
scs
__scs_entry_jumppad:
0x0: {  	(pc) =	sbr.rel $0x88, $3  }
0x1: {  	(tag) =	ssettag $0x0;
	lr =	simm.s32 $0x1  }
0x2: {  	[smem:$0x3F9B] =	sst lr;
	_ =	strace $0xD0000000  }
0x3: {  	_ = 	snop  }
0x4: {  	_ = 	snop  }
0x5: {  	_ = 	snop  }
0x6: {  	_ = 	snop  }
0x7: {  	_ = 	snop  }
__scs_overlays_trampoline_lowered:
0x8: {  	[smem:$0x3FAA] =	sst s0  }
0x9: {  	[smem:$0x3FAB] =	sst s1  }
0xa: {  	[smem:$0x3FAC] =	sst s2  }
0xb: {  	[smem:$0x3FAD] =	sst s3  }
0xc: {  	[smem:$0x3FAE] =	sst s4  }
0xd: {  	[smem:$0x3FAF] =	sst s5  }
0xe: {  	[smem:$0x3FB0] =	sst s6  }
0xf: {  	[smem:$0x3FB1] =	sst s7  }
0x10: {  	[smem:$0x3FB2] =	sst s8  }
0x11: {  	[smem:$0x3FB3] =	sst s9;
	s0 =	simm.s32 @!p0 $0x0  }
0x12: {  	s1 =	sld [smem:$0x3F99];
	s0 =	simm.s32 @p0 $0x1  }
0x13: {  	[smem:$0x3FB4] =	sst s0;
	s0 =	simm.s32 @!p1 $0x0  }
0x14: {  	s2 =	sld [smem:$0x3F98];
	s0 =	simm.s32 @p1 $0x1  }
0x15: {  	[smem:$0x3FB5] =	sst s0;
	s0 =	simm.s32 @!p2 $0x0  }
0x16: {  	s3 =	sld [smem:$0x3FDB];
	s0 =	simm.s32 @p2 $0x1  }
0x17: {  	s4 =	simm.s32 $0x1BF5;
	[smem:$0x3FB7] =	sst s0  }
0x18: {  	s0 =	sld [smem:$0x3F9A];
	_ =	swait.ge [sflag:s4], $0x0  }
0x19: {  	s7 =	sld [smem:$0x3F9B]  }
0x1a: {  	s8 =	sadd.s32 $0xFFFFE003, lr  }
0x1b: {  	s9 =	sadd.s32 $0xFFFFFEF7, lr;
	s5 =	simm.s32 $0xFFFFFFFF;
	p2 =	slt.u32 s8, $0xFFFFF086  }
0x1c: {  	p1 =	slt.u32 s9, $0xF7A;
	s5 =	simm.s32 @!p2 $0x0  }
0x1d: {  	s5 =	simm.s32 @p1 $0x1;
	p0 =	seq.s32 s7, s2  }
0x1e: {  	s7 =	smul.u32 @!p0 $0xF7A, s2;
	p2 =	seq.s32 @!p0 s5, $0x0  }
0x1f: {  	s9 =	smul.u32 $0xF7A, s1;
	s8 =	simm.s32 @!p0 $0x1BF5;
	p2 =	por !p2, p0  }
0x20: {  	[sflag:s8] =	ssyncset.s32 @!p0 $0xFFFFF086;
	s6 =	sadd.s32 @!p0 s3, s7;
	s7 =	simm.s32 @!p0 $0x108  }
0x21: {  	s3 =	sadd.s32 s3, s9;
	s6 =	sadd.s32 @!p0 $0x88, s6;
	s7 =	simm.s32 @p2 $0x1082  }
0x22: {  	[simem:s7], [sflag:s8] =	dma.local @!p0 [hbm:s6], $0xF7A  }
0x23: {  	s9 =	sor.u32 $0xD0000000, s2;
	s6 =	simm.s32 $0x108;
	_ =	swait.ge @!p0 [sflag:s8], $0x0  }
0x24: {  	s3 =	sadd.s32 $0x88, s3;
	s6 =	simm.s32 @!p1 $0x1082;
	[sflag:s4] =	ssyncset.s32 $0xFFFFF086  }
0x25: {  	[simem:s6], [sflag:s4] =	dma.local [hbm:s3], $0xF7A  }
0x26: {  	[smem:$0x3F9B] =	sst s1;
	(tag) =	ssettag s2;
	_ =	strace s9  }
0x27: {  	s1 =	sld [smem:$0x3FAB]  }
0x28: {  	s2 =	sld [smem:$0x3FAC]  }
0x29: {  	s4 =	sld [smem:$0x3FAE]  }
0x2a: {  	p0 =	seq.s32 s5, $0x0;
	s5 =	sld [smem:$0x3FAF]  }
0x2b: {  	s6 =	sld [smem:$0x3FB0]  }
0x2c: {  	s7 =	sld [smem:$0x3FB1]  }
0x2d: {  	s3 =	simm.s32 $0x108;
	s8 =	sld [smem:$0x3FB2]  }
0x2e: {  	s3 =	simm.s32 @!p0 $0x1082;
	s9 =	sld [smem:$0x3FB3]  }
0x2f: {  	lr =	sadd.s32 s0, s3;
	s0 =	sld [smem:$0x3FAA]  }
0x30: {  	s3 =	sld [smem:$0x3FAD]  }
0x31: {  	[smem:$0x3FB6] =	sst s10  }
0x32: {  	s10 =	sld [smem:$0x3FB4];
	_ =	sdelay $0x3  }
0x33: {  	p0 =	seq.s32 s10, $0x1;
	s10 =	sld [smem:$0x3FB6];
	_ =	sdelay $0x3  }
0x34: {  	[smem:$0x3FB6] =	sst s10  }
0x35: {  	s10 =	sld [smem:$0x3FB5];
	_ =	sdelay $0x3  }
0x36: {  	p1 =	seq.s32 s10, $0x1;
	s10 =	sld [smem:$0x3FB6];
	_ =	sdelay $0x3  }
0x37: {  	[smem:$0x3FB6] =	sst s10  }
0x38: {  	s10 =	sld [smem:$0x3FB7]  }
0x39: {  	_ = 	snop;
	(pc) =	sbr.ind lr, $3  }
0x3a: {  	_ = 	snop  }
0x3b: {  	_ = 	snop  }
0x3c: {  	p2 =	seq.s32 s10, $0x1;
	s10 =	sld [smem:$0x3FB6]  }
0x3d: {  	_ =	shalt  }
0x3e: {  	_ =	shalt  }
0x3f: {  	_ =	shalt  }
0x40: {  	_ =	shalt  }
0x41: {  	_ =	shalt  }
0x42: {  	_ =	shalt  }
0x43: {  	_ =	shalt  }
0x44: {  	_ =	shalt  }
0x45: {  	_ =	shalt  }
0x46: {  	_ =	shalt  }
0x47: {  	_ =	shalt  }
0x48: {  	_ =	shalt  }
0x49: {  	_ =	shalt  }
0x4a: {  	_ =	shalt  }
0x4b: {  	_ =	shalt  }
0x4c: {  	_ =	shalt  }
0x4d: {  	_ =	shalt  }
0x4e: {  	_ =	shalt  }
0x4f: {  	_ =	shalt  }
0x50: {  	_ =	shalt  }
0x51: {  	_ =	shalt  }
0x52: {  	_ =	shalt  }
0x53: {  	_ =	shalt  }
0x54: {  	_ =	shalt  }
0x55: {  	_ =	shalt  }
0x56: {  	_ =	shalt  }
0x57: {  	_ =	shalt  }
0x58: {  	_ =	shalt  }
0x59: {  	_ =	shalt  }
0x5a: {  	_ =	shalt  }
0x5b: {  	_ =	shalt  }
0x5c: {  	_ =	shalt  }
0x5d: {  	_ =	shalt  }
0x5e: {  	_ =	shalt  }
0x5f: {  	_ =	shalt  }
0x60: {  	_ =	shalt  }
0x61: {  	_ =	shalt  }
0x62: {  	_ =	shalt  }
0x63: {  	_ =	shalt  }
0x64: {  	_ =	shalt  }
0x65: {  	_ =	shalt  }
0x66: {  	_ =	shalt  }
0x67: {  	_ =	shalt  }
0x68: {  	_ =	shalt  }
0x69: {  	_ =	shalt  }
0x6a: {  	_ =	shalt  }
0x6b: {  	_ =	shalt  }
0x6c: {  	_ =	shalt  }
0x6d: {  	_ =	shalt  }
0x6e: {  	_ =	shalt  }
0x6f: {  	_ =	shalt  }
0x70: {  	_ =	shalt  }
0x71: {  	_ =	shalt  }
0x72: {  	_ =	shalt  }
0x73: {  	_ =	shalt  }
0x74: {  	_ =	shalt  }
0x75: {  	_ =	shalt  }
0x76: {  	_ =	shalt  }
0x77: {  	_ =	shalt  }
0x78: {  	_ =	shalt  }
0x79: {  	_ =	shalt  }
0x7a: {  	_ =	shalt  }
0x7b: {  	_ =	shalt  }
0x7c: {  	_ =	shalt  }
0x7d: {  	_ =	shalt  }
0x7e: {  	_ =	shalt  }
0x7f: {  	_ =	shalt  }
0x80: {  	_ =	shalt  }
0x81: {  	_ =	shalt  }
0x82: {  	_ =	shalt  }
0x83: {  	_ =	shalt  }
0x84: {  	_ =	shalt  }
0x85: {  	_ =	shalt  }
0x86: {  	_ =	shalt  }
0x87: {  	_ =	shalt  }
.Lfunc_end0:
.L_simem_size_0:
called_computation_lowered:
.L_overlay_start_0:
0x88: {  	s2 =	sld [smem:$0x3FD9]  }
0x89: {  	s3 =	sld [smem:$0x3FFE];
	_ =	sdelay $0x1  }
0x8a: {  	s1 =	srdreg.scid  }
0x8b: {  	s0 =	sand.u32 $0x1, s1  }
0x8c: {  	s16 =	sshll.u32 s0, $0xA;
	s2 =	sadd.s32 s3, s2  }
0x8d: {  	s2 =	sadd.s32 s2, s16  }
0x8e: {  	[smem:$0x3FC2] =	sst s2  }
0x8f: {  	_ = 	snop  }
0x90: {  	(tm) =	ssettm $0x1  }
0x91: {  	s17 =	sld [smem:$0x3FFB];
	_ =	sdelay $0x3  }
0x92: {  	_ =	strace s17  }
0x93: {  	s2 =	sld [smem:$0x3FFC];
	_ =	sdelay $0x3  }
0x94: {  	_ =	strace s2  }
0x95: {  	s2 =	sld [smem:$0x3FFD];
	_ =	sdelay $0x3  }
0x96: {  	_ =	strace s2  }
0x97: {  	_ =	strace $0x8FFFFFFF  }
0x98: {  	s18 =	sld [smem:$0x3FDB];
	_ =	sdelay $0x1  }
0x99: {  	s19 =	simm.s32 $_scs_section_size  }
0x9a: {  	s4 =	simm.s32 $_size__tile_overlayer_lowered;
	s5 =	simm.s32 $_tile_overlayer_lowered  }
0x9b: {  	s22 =	simm.s32 $0x1BFF;
	s21 =	sshll.u32 s5, $0x1;
	s2 =	sadd.s32 s19, s18  }
0x9c: {  	s6 =	simm.s32 $0x0;
	s20 =	sshll.u32 s4, $0x1;
	s4 =	sadd.s32 s21, s2  }
0x9d: {  	[timem:s6], [sflag:s22] =	dma.local [hbm:s4], s20  }
0x9e: {  	_ =	swait.ge [sflag:s22], s20  }
0x9f: {  	s3 =	ssub.s32 $0x0, s20;
	[sflag:s22] =	ssyncset.done $0x0  }
0xa0: {  	[sflag:s22] =	ssyncadd.s32 s3;
	_ =	sdelay $0x1  }
0xa1: {  	s23 =	simm.s32 $0x1B8B  }
0xa2: {  	_ =	swait.ge [sflag:s23], $0x1  }
0xa3: {  	[sflag:s23] =	ssyncset.done $0x0  }
0xa4: {  	s25 =	simm.s32 $0x1B8E;
	s24 =	sld [smem:$0x3FFE];
	[sflag:s23] =	ssyncadd.s32 $0xFFFFFFFF  }
0xa5: {  	s26 =	simm.s32 $execute0_lowered;
	[smem:$0x3FD2] =	sst s25  }
0xa6: {  	s4 =	sshll.u32 s26, $0x1;
	_ =	strace $0x80000046;
	[dreg:$0x1] =	wrdreg $0xFFFFFFFF  }
0xa7: {  	s28 =	simm.s32 $_size_execute0_lowered;
	s2 =	sadd.s32 s2, s4;
	[dreg:$0x0] =	wrdreg $0x0  }
0xa8: {  	s4 =	sshll.u32 s28, $0x1;
	[dreg:$0x2] =	wrdreg s2  }
0xa9: {  	[dreg:$0x3] =	wrdreg s4  }
0xaa: {  	[dreg:$0x4] =	wrdreg $0xC0  }
0xab: {  	_ =	task [dreg:s6], $0x5FFFF  }
0xac: {  	[dreg:$0x1] =	wrdreg $0xFFFFFFFF  }
0xad: {  	[dreg:$0x0] =	wrdreg $0x60  }
0xae: {  	[dreg:$0x2] =	wrdreg s24  }
0xaf: {  	[dreg:$0x3] =	wrdreg $0x9  }
0xb0: {  	_ =	task.clear_ibuf [dreg:s6], $0x4FFFF;
	_ =	strace $0x90000046  }
0xb1: {  	s29 =	simm.s32 $0x9;
	_ =	strace $0x80000048  }
0xb2: {  	_ =	swait.ge [sflag:s29], $0x1  }
0xb3: {  	[sflag:s29] =	ssyncadd.s32 $0xFFFFFFFF  }
0xb4: {  	_ =	strace $0x90000048  }
0xb5: {  	_ =	sfence  }
0xb6: {  	s30 =	sld [smem:$0x0];
	_ =	sdelay $0x2  }
0xb7: {  	s31 =	sshll.u32 s1, $0xD;
	s1 =	sshrl.u32 s1, $0x2  }
0xb8: {  	s3 =	sand.u32 $0x4000, s31;
	s1 =	sadd.s32 s1, s30  }
0xb9: {  	s0 =	sor.u32 s3, s0;
	s1 =	sshll.u32 s1, $0x11  }
0xba: {  	s0 =	sor.u32 s1, s0  }
0xbb: {  	s0 =	sadd.s32 $0x8F2B, s0  }
0xbc: {  	[sflag:s0] =	ssyncadd.remote.s32 $0x1  }
0xbd: {  	_ =	sfence.sel $0xFFFF  }
0xbe: {  	[dreg:$0x0] =	wrdreg $0xFFFFFFFF;
	(pc) =	sbr.abs _section_cstart, $3  }
0xbf: {  	[dreg:$0x1] =	wrdreg $0xFFFFFFFF  }
0xc0: {  	_ =	task.clear_ibuf [dreg:s6], $0x2FFFF;
	_ =	strace $0x9FFFFFFF  }
0xc1: {  	(tm) =	ssettm $0x7FFFFFFF  }
tec
execute0_lowered:
.L_overlay_start_1:
0x0: {  	(tag) =	ssettag $0x1  }
0x1: {  	s0 =	srdreg.scid;
	s5 =	rddreg [dreg:$0x0];
	s2 =	simm.s32 $0x0  }
0x2: {  	s8 =	simm.s32 $0x2780;
	s9 =	simm.s32 $0x1;
	s10 =	simm.s32 $0x2  }
0x3: {  	s11 =	simm.s32 $0x4F00;
	s12 =	simm.s32 $0x7700;
	s3 =	sand.u32 $0x1, s0  }
0x4: {  	s13 =	simm.s32 $0x80;
	s0 =	stileid.u32;
	s1 =	sshll.u32 s3, $0x4  }
0x5: {  	s14 =	simm.s32 $0x400;
	s15 =	simm.s32 $0x3;
	s4 =	sor.u32 s0, s1  }
0x6: {  	s16 =	simm.s32 $0x0;
	[smem:$0x7FF] =	sst s2;
	s1 =	sshrl.u32 s4, $0x3  }
0x7: {  	s7 =	sshll.u32 s0, $0x7;
	s3 =	ssub.s32 $0x2, s3;
	s6 =	smul.u32 $0x14000, s1  }
0x8: {  	s7 =	sand.u32 $0x380, s7;
	s30 =	sshrl.u32 s3, $0x1;
	s4 =	smul.u32 $0x4E2, s4  }
0x9: {  	s31 =	ssub.s32 s3, s30;
	s1 =	rddreg [dreg:$0x1];
	s6 =	sor.u32 s7, s6  }
0xa: {  	_ =	strace $0x80000047;
	s4 =	sadd.s32 s4, s5;
	s6 =	sshrl.u32 s6, $0x3  }
0xb: {  	s3 =	sadd.s32 $0xC600, s4;
	s4 =	sadd.s32 $0x2800, s4;
	s6 =	sadd.s32 s6, s5  }
0xc: {  	v0 =	vimm.f32 $0.0e+00;
	v1 =	vimm.f32 $1.000000000e+00;
	s7 =	smax.u32 s31, $0x1;
	s5 =	sadd.s32 $0x16400, s6;
	s6 =	sadd.s32 $0x20400, s6  }
.LBB2_1:
0xd: {  	[tilespmem:s2], [sflag:$0x1] =	stream.linear.gather [hbm4b:s3+s2], $0x2710, $0x38;
	[tilespmem:$0x9F00] =	vst v63  }
0xe: {  	s17 =	simm.s32 $0x0;
	s18 =	simm.s32 $0x200  }
0xf: {  	[tilespmem:s8], [sflag:$0x2] =	stream.linear.gather [hbm4b:s4+s2], $0x2710, $0x38;
	[tilespmem:$0x9F00] =	vst v63  }
.LBB2_2:
0x10: {  	p0 =	sne.s32 s18, $0x9E00;
	[tilespmem:s17+$0x7770] =	vst v0  }
0x11: {  	[tilespmem:s17+$0x4F00] =	vst v0  }
0x12: {  	[tilespmem:s17+$0x7700] =	vst v0  }
0x13: {  	[tilespmem:s17+$0x4F10] =	vst v0  }
0x14: {  	[tilespmem:s17+$0x7710] =	vst v0  }
0x15: {  	[tilespmem:s17+$0x4F20] =	vst v0  }
0x16: {  	[tilespmem:s17+$0x7720] =	vst v0  }
0x17: {  	[tilespmem:s17+$0x4F30] =	vst v0  }
0x18: {  	[tilespmem:s17+$0x7730] =	vst v0  }
0x19: {  	[tilespmem:s17+$0x4F40] =	vst v0  }
0x1a: {  	[tilespmem:s17+$0x7740] =	vst v0  }
.Ltmp0:
0x1b: {  	[tilespmem:s17+$0x4F50] =	vst v0;
	(pc) =	sbr.rel @p0 .LBB2_2-.Ltmp0, $4  }
0x1c: {  	[tilespmem:s17+$0x7750] =	vst v0  }
0x1d: {  	[tilespmem:s17+$0x4F60] =	vst v0  }
0x1e: {  	[tilespmem:s17+$0x7760] =	vst v0  }
0x1f: {  	[tilespmem:s17+$0x4F70] =	vst v0;
	s17 =	sshra.s32 s18, $0x2;
	s18 =	sadd.s32 $0x200, s18  }
0x20: {  	[tilespmem:s17+$0x7770] =	vst v0  }
0x21: {  	[tilespmem:s17+$0x4F00] =	vst v0  }
0x22: {  	[tilespmem:s17+$0x7700] =	vst v0  }
0x23: {  	[tilespmem:s17+$0x4F10] =	vst v0  }
0x24: {  	[tilespmem:s17+$0x7710] =	vst v0  }
0x25: {  	[tilespmem:s17+$0x4F20] =	vst v0  }
0x26: {  	[tilespmem:s17+$0x7720] =	vst v0  }
0x27: {  	[tilespmem:s17+$0x4F30] =	vst v0  }
0x28: {  	[tilespmem:s17+$0x7730] =	vst v0  }
0x29: {  	[tilespmem:s17+$0x4F40] =	vst v0  }
0x2a: {  	[tilespmem:s17+$0x7740] =	vst v0  }
0x2b: {  	[tilespmem:s17+$0x4F50] =	vst v0  }
0x2c: {  	[tilespmem:s17+$0x7750] =	vst v0  }
0x2d: {  	[tilespmem:s17+$0x4F60] =	vst v0  }
0x2e: {  	[tilespmem:s17+$0x7760] =	vst v0  }
0x2f: {  	[tilespmem:s17+$0x4F70] =	vst v0  }
0x30: {  	_ =	swait.ge [sflag:s9], $0x2710  }
0x31: {  	[sflag:s9] =	ssyncset.done $0x0  }
0x32: {  	[sflag:s9] =	ssyncadd.s32 $0xFFFFD8F0  }
0x33: {  	_ =	swait.ge [sflag:s10], $0x2710  }
0x34: {  	[sflag:s10] =	ssyncset.done $0x0  }
0x35: {  	s17 =	simm.s32 $0x0;
	[sflag:s10] =	ssyncadd.s32 $0xFFFFD8F0  }
.LBB2_4:
0x36: {  	s18 =	sshra.s32 s17, $0x2  }
0x37: {  	v2 =	vld [tilespmem:s18+$0x0]  }
0x38: {  	v3 =	vld [tilespmem:s18+$0x2780];
	_ =	sdelay $0x6  }
0x39: {  	[tilespmem:v2+s11+$0x0] =	vst.idx.add.f32.msk $0xffff, v1  }
0x3a: {  	[tilespmem:v3+s12+$0x0] =	vst.idx.add.f32.msk $0xffff, v1  }
0x3b: {  	v2 =	vld [tilespmem:s18+$0x10]  }
0x3c: {  	v3 =	vld [tilespmem:s18+$0x2790];
	_ =	sdelay $0x6  }
0x3d: {  	[tilespmem:v2+s11+$0x0] =	vst.idx.add.f32.msk $0xffff, v1  }
0x3e: {  	[tilespmem:v3+s12+$0x0] =	vst.idx.add.f32.msk $0xffff, v1  }
0x3f: {  	v2 =	vld [tilespmem:s18+$0x20]  }
0x40: {  	v3 =	vld [tilespmem:s18+$0x27A0];
	_ =	sdelay $0x6  }
0x41: {  	[tilespmem:v2+s11+$0x0] =	vst.idx.add.f32.msk $0xffff, v1  }
0x42: {  	[tilespmem:v3+s12+$0x0] =	vst.idx.add.f32.msk $0xffff, v1  }
0x43: {  	v2 =	vld [tilespmem:s18+$0x30]  }
0x44: {  	v3 =	vld [tilespmem:s18+$0x27B0];
	_ =	sdelay $0x6  }
0x45: {  	[tilespmem:v2+s11+$0x0] =	vst.idx.add.f32.msk $0xffff, v1  }
0x46: {  	[tilespmem:v3+s12+$0x0] =	vst.idx.add.f32.msk $0xffff, v1  }
0x47: {  	v2 =	vld [tilespmem:s18+$0x40]  }
0x48: {  	v3 =	vld [tilespmem:s18+$0x27C0];
	_ =	sdelay $0x2  }
0x49: {  	p0 =	sne.s32 s17, $0x9B00  }
.Ltmp1:
0x4a: {  	_ = 	snop;
	(pc) =	sbr.rel @p0 .LBB2_4-.Ltmp1, $3  }
0x4b: {  	_ =	sdelay $0x1  }
0x4c: {  	[tilespmem:v2+s11+$0x0] =	vst.idx.add.f32.msk $0xffff, v1  }
0x4d: {  	s17 =	sadd.s32 $0x140, s17;
	[tilespmem:v3+s12+$0x0] =	vst.idx.add.f32.msk $0xffff, v1  }
0x4e: {  	[hbm4b:s5+s13] =	stream.strided.scatter [tilespmem:s11], [sflag:$0x3], $0x2800, s14, s13, $0x38;
	[tilespmem:$0x9F00] =	vst v63  }
0x4f: {  	s16 =	sadd.s32 $0x1, s16;
	_ =	swait.ge [sflag:s15], $0x2800  }
0x50: {  	p0 =	sne.s32 s16, s7;
	[sflag:s15] =	ssyncset.done $0x0  }
.Ltmp2:
0x51: {  	[sflag:s15] =	ssyncadd.s32 $0xFFFFD800;
	(pc) =	sbr.rel @p0 .LBB2_1-.Ltmp2, $4  }
0x52: {  	[hbm4b:s6+s13] =	stream.strided.scatter [tilespmem:s12], [sflag:$0x3], $0x2800, s14, s13, $0x38;
	[tilespmem:$0x9F00] =	vst v63  }
0x53: {  	_ =	swait.ge [sflag:s15], $0x2800  }
0x54: {  	[sflag:s15] =	ssyncset.done $0x0  }
0x55: {  	[sflag:s15] =	ssyncadd.s32 $0xFFFFD800  }
0x56: {  	_ =	sfence.sel $0x180000  }
0x57: {  	[bflag:$0x0] =	sbarrier.arrive $0xFFFF  }
0x58: {  	p0 =	sne.s32 s0, $0x0;
	_ =	strace $0x90000047  }
0x59: {  	s0 =	sadd.s32 @!p0 $0x100000, s1;
	[bflag:$0x2] =	sbarrier.arrive $0xFFFF  }
0x5a: {  	[sflag:s0] =	ssyncadd.tile.s32 @!p0 $0x1;
	_ =	shalt  }
.Lfunc_end2:
_tile_overlayer_lowered:
.L_overlay_start_2:
0x5b: {  	(tag) =	ssettag $0x2  }
0x5c: {  	s0 =	rddreg [dreg:$0x0];
	s2 =	stileid.u32  }
0x5d: {  	s1 =	rddreg [dreg:$0x1];
	p0 =	sne.s32 s2, $0x0  }
0x5e: {  	s3 =	rddreg [dreg:$0x2];
	[bflag:$0x3] =	sbarrier.arrive $0xFFFF;
	s2 =	simm.s32 @!p0 $0x1C03  }
0x5f: {  	[timem:s3], [sflag:s2] =	dma.local @!p0 [hbm:s0], s1  }
0x60: {  	s0 =	simm.s32 @!p0 $0x3  }
0x61: {  	_ =	swait.ge @!p0 [sflag:s0], s1  }
0x62: {  	s1 =	ssub.s32 @!p0 $0x0, s1;
	[sflag:s0] =	ssyncset.done @!p0 $0x0  }
0x63: {  	[sflag:s0] =	ssyncadd.s32 @!p0 s1  }
0x64: {  	[bflag:$0x3] =	sbarrier.arrive $0xFFFF  }
0x65: {  	_ =	shalt  }

// kernel: kernel.9.cloned.1.call-start
scs
__scs_entry_jumppad:
0x0: {  	(pc) =	sbr.rel $0x88, $3  }
0x1: {  	(tag) =	ssettag $0x0;
	lr =	simm.s32 $0x1  }
0x2: {  	[smem:$0x3F9B] =	sst lr;
	_ =	strace $0xD0000000  }
0x3: {  	_ = 	snop  }
0x4: {  	_ = 	snop  }
0x5: {  	_ = 	snop  }
0x6: {  	_ = 	snop  }
0x7: {  	_ = 	snop  }
__scs_overlays_trampoline_lowered:
0x8: {  	[smem:$0x3FAA] =	sst s0  }
0x9: {  	[smem:$0x3FAB] =	sst s1  }
0xa: {  	[smem:$0x3FAC] =	sst s2  }
0xb: {  	[smem:$0x3FAD] =	sst s3  }
0xc: {  	[smem:$0x3FAE] =	sst s4  }
0xd: {  	[smem:$0x3FAF] =	sst s5  }
0xe: {  	[smem:$0x3FB0] =	sst s6  }
0xf: {  	[smem:$0x3FB1] =	sst s7  }
0x10: {  	[smem:$0x3FB2] =	sst s8  }
0x11: {  	[smem:$0x3FB3] =	sst s9;
	s0 =	simm.s32 @!p0 $0x0  }
0x12: {  	s1 =	sld [smem:$0x3F99];
	s0 =	simm.s32 @p0 $0x1  }
0x13: {  	[smem:$0x3FB4] =	sst s0;
	s0 =	simm.s32 @!p1 $0x0  }
0x14: {  	s2 =	sld [smem:$0x3F98];
	s0 =	simm.s32 @p1 $0x1  }
0x15: {  	[smem:$0x3FB5] =	sst s0;
	s0 =	simm.s32 @!p2 $0x0  }
0x16: {  	s3 =	sld [smem:$0x3FDB];
	s0 =	simm.s32 @p2 $0x1  }
0x17: {  	s4 =	simm.s32 $0x1BF5;
	[smem:$0x3FB7] =	sst s0  }
0x18: {  	s0 =	sld [smem:$0x3F9A];
	_ =	swait.ge [sflag:s4], $0x0  }
0x19: {  	s7 =	sld [smem:$0x3F9B]  }
0x1a: {  	s8 =	sadd.s32 $0xFFFFE003, lr  }
0x1b: {  	s9 =	sadd.s32 $0xFFFFFEF7, lr;
	s5 =	simm.s32 $0xFFFFFFFF;
	p2 =	slt.u32 s8, $0xFFFFF086  }
0x1c: {  	p1 =	slt.u32 s9, $0xF7A;
	s5 =	simm.s32 @!p2 $0x0  }
0x1d: {  	s5 =	simm.s32 @p1 $0x1;
	p0 =	seq.s32 s7, s2  }
0x1e: {  	s7 =	smul.u32 @!p0 $0xF7A, s2;
	p2 =	seq.s32 @!p0 s5, $0x0  }
0x1f: {  	s9 =	smul.u32 $0xF7A, s1;
	s8 =	simm.s32 @!p0 $0x1BF5;
	p2 =	por !p2, p0  }
0x20: {  	[sflag:s8] =	ssyncset.s32 @!p0 $0xFFFFF086;
	s6 =	sadd.s32 @!p0 s3, s7;
	s7 =	simm.s32 @!p0 $0x108  }
0x21: {  	s3 =	sadd.s32 s3, s9;
	s6 =	sadd.s32 @!p0 $0x88, s6;
	s7 =	simm.s32 @p2 $0x1082  }
0x22: {  	[simem:s7], [sflag:s8] =	dma.local @!p0 [hbm:s6], $0xF7A  }
0x23: {  	s9 =	sor.u32 $0xD0000000, s2;
	s6 =	simm.s32 $0x108;
	_ =	swait.ge @!p0 [sflag:s8], $0x0  }
0x24: {  	s3 =	sadd.s32 $0x88, s3;
	s6 =	simm.s32 @!p1 $0x1082;
	[sflag:s4] =	ssyncset.s32 $0xFFFFF086  }
0x25: {  	[simem:s6], [sflag:s4] =	dma.local [hbm:s3], $0xF7A  }
0x26: {  	[smem:$0x3F9B] =	sst s1;
	(tag) =	ssettag s2;
	_ =	strace s9  }
0x27: {  	s1 =	sld [smem:$0x3FAB]  }
0x28: {  	s2 =	sld [smem:$0x3FAC]  }
0x29: {  	s4 =	sld [smem:$0x3FAE]  }
0x2a: {  	p0 =	seq.s32 s5, $0x0;
	s5 =	sld [smem:$0x3FAF]  }
0x2b: {  	s6 =	sld [smem:$0x3FB0]  }
0x2c: {  	s7 =	sld [smem:$0x3FB1]  }
0x2d: {  	s3 =	simm.s32 $0x108;
	s8 =	sld [smem:$0x3FB2]  }
0x2e: {  	s3 =	simm.s32 @!p0 $0x1082;
	s9 =	sld [smem:$0x3FB3]  }
0x2f: {  	lr =	sadd.s32 s0, s3;
	s0 =	sld [smem:$0x3FAA]  }
0x30: {  	s3 =	sld [smem:$0x3FAD]  }
0x31: {  	[smem:$0x3FB6] =	sst s10  }
0x32: {  	s10 =	sld [smem:$0x3FB4];
	_ =	sdelay $0x3  }
0x33: {  	p0 =	seq.s32 s10, $0x1;
	s10 =	sld [smem:$0x3FB6];
	_ =	sdelay $0x3  }
0x34: {  	[smem:$0x3FB6] =	sst s10  }
0x35: {  	s10 =	sld [smem:$0x3FB5];
	_ =	sdelay $0x3  }
0x36: {  	p1 =	seq.s32 s10, $0x1;
	s10 =	sld [smem:$0x3FB6];
	_ =	sdelay $0x3  }
0x37: {  	[smem:$0x3FB6] =	sst s10  }
0x38: {  	s10 =	sld [smem:$0x3FB7]  }
0x39: {  	_ = 	snop;
	(pc) =	sbr.ind lr, $3  }
0x3a: {  	_ = 	snop  }
0x3b: {  	_ = 	snop  }
0x3c: {  	p2 =	seq.s32 s10, $0x1;
	s10 =	sld [smem:$0x3FB6]  }
0x3d: {  	_ =	shalt  }
0x3e: {  	_ =	shalt  }
0x3f: {  	_ =	shalt  }
0x40: {  	_ =	shalt  }
0x41: {  	_ =	shalt  }
0x42: {  	_ =	shalt  }
0x43: {  	_ =	shalt  }
0x44: {  	_ =	shalt  }
0x45: {  	_ =	shalt  }
0x46: {  	_ =	shalt  }
0x47: {  	_ =	shalt  }
0x48: {  	_ =	shalt  }
0x49: {  	_ =	shalt  }
0x4a: {  	_ =	shalt  }
0x4b: {  	_ =	shalt  }
0x4c: {  	_ =	shalt  }
0x4d: {  	_ =	shalt  }
0x4e: {  	_ =	shalt  }
0x4f: {  	_ =	shalt  }
0x50: {  	_ =	shalt  }
0x51: {  	_ =	shalt  }
0x52: {  	_ =	shalt  }
0x53: {  	_ =	shalt  }
0x54: {  	_ =	shalt  }
0x55: {  	_ =	shalt  }
0x56: {  	_ =	shalt  }
0x57: {  	_ =	shalt  }
0x58: {  	_ =	shalt  }
0x59: {  	_ =	shalt  }
0x5a: {  	_ =	shalt  }
0x5b: {  	_ =	shalt  }
0x5c: {  	_ =	shalt  }
0x5d: {  	_ =	shalt  }
0x5e: {  	_ =	shalt  }
0x5f: {  	_ =	shalt  }
0x60: {  	_ =	shalt  }
0x61: {  	_ =	shalt  }
0x62: {  	_ =	shalt  }
0x63: {  	_ =	shalt  }
0x64: {  	_ =	shalt  }
0x65: {  	_ =	shalt  }
0x66: {  	_ =	shalt  }
0x67: {  	_ =	shalt  }
0x68: {  	_ =	shalt  }
0x69: {  	_ =	shalt  }
0x6a: {  	_ =	shalt  }
0x6b: {  	_ =	shalt  }
0x6c: {  	_ =	shalt  }
0x6d: {  	_ =	shalt  }
0x6e: {  	_ =	shalt  }
0x6f: {  	_ =	shalt  }
0x70: {  	_ =	shalt  }
0x71: {  	_ =	shalt  }
0x72: {  	_ =	shalt  }
0x73: {  	_ =	shalt  }
0x74: {  	_ =	shalt  }
0x75: {  	_ =	shalt  }
0x76: {  	_ =	shalt  }
0x77: {  	_ =	shalt  }
0x78: {  	_ =	shalt  }
0x79: {  	_ =	shalt  }
0x7a: {  	_ =	shalt  }
0x7b: {  	_ =	shalt  }
0x7c: {  	_ =	shalt  }
0x7d: {  	_ =	shalt  }
0x7e: {  	_ =	shalt  }
0x7f: {  	_ =	shalt  }
0x80: {  	_ =	shalt  }
0x81: {  	_ =	shalt  }
0x82: {  	_ =	shalt  }
0x83: {  	_ =	shalt  }
0x84: {  	_ =	shalt  }
0x85: {  	_ =	shalt  }
0x86: {  	_ =	shalt  }
0x87: {  	_ =	shalt  }
.Lfunc_end0:
.L_simem_size_0:
called_computation.1_lowered:
.L_overlay_start_0:
0x88: {  	s2 =	sld [smem:$0x3FD9]  }
0x89: {  	s3 =	sld [smem:$0x3FFE];
	_ =	sdelay $0x1  }
0x8a: {  	s1 =	srdreg.scid  }
0x8b: {  	s0 =	sand.u32 $0x1, s1  }
0x8c: {  	s16 =	sshll.u32 s0, $0xA;
	s2 =	sadd.s32 s3, s2  }
0x8d: {  	s2 =	sadd.s32 s2, s16  }
0x8e: {  	[smem:$0x3FC2] =	sst s2  }
0x8f: {  	_ = 	snop  }
0x90: {  	(tm) =	ssettm $0x1  }
0x91: {  	s17 =	sld [smem:$0x3FFB];
	_ =	sdelay $0x3  }
0x92: {  	_ =	strace s17  }
0x93: {  	s2 =	sld [smem:$0x3FFC];
	_ =	sdelay $0x3  }
0x94: {  	_ =	strace s2  }
0x95: {  	s2 =	sld [smem:$0x3FFD];
	_ =	sdelay $0x3  }
0x96: {  	_ =	strace s2  }
0x97: {  	_ =	strace $0x8FFFFFFF  }
0x98: {  	s18 =	sld [smem:$0x3FDB];
	_ =	sdelay $0x1  }
0x99: {  	s19 =	simm.s32 $_scs_section_size  }
0x9a: {  	s4 =	simm.s32 $_size__tile_overlayer_lowered;
	s5 =	simm.s32 $_tile_overlayer_lowered  }
0x9b: {  	s22 =	simm.s32 $0x1BFF;
	s21 =	sshll.u32 s5, $0x1;
	s2 =	sadd.s32 s19, s18  }
0x9c: {  	s6 =	simm.s32 $0x0;
	s20 =	sshll.u32 s4, $0x1;
	s4 =	sadd.s32 s21, s2  }
0x9d: {  	[timem:s6], [sflag:s22] =	dma.local [hbm:s4], s20  }
0x9e: {  	_ =	swait.ge [sflag:s22], s20  }
0x9f: {  	s3 =	ssub.s32 $0x0, s20;
	[sflag:s22] =	ssyncset.done $0x0  }
0xa0: {  	[sflag:s22] =	ssyncadd.s32 s3;
	_ =	sdelay $0x1  }
0xa1: {  	s23 =	simm.s32 $0x1B8B  }
0xa2: {  	_ =	swait.ge [sflag:s23], $0x1  }
0xa3: {  	[sflag:s23] =	ssyncset.done $0x0  }
0xa4: {  	s25 =	simm.s32 $0x1B8E;
	s24 =	sld [smem:$0x3FFE];
	[sflag:s23] =	ssyncadd.s32 $0xFFFFFFFF  }
0xa5: {  	s26 =	simm.s32 $execute0_lowered;
	[smem:$0x3FD2] =	sst s25  }
0xa6: {  	s4 =	sshll.u32 s26, $0x1;
	_ =	strace $0x80000049;
	[dreg:$0x1] =	wrdreg $0xFFFFFFFF  }
0xa7: {  	s28 =	simm.s32 $_size_execute0_lowered;
	s2 =	sadd.s32 s2, s4;
	[dreg:$0x0] =	wrdreg $0x0  }
0xa8: {  	s4 =	sshll.u32 s28, $0x1;
	[dreg:$0x2] =	wrdreg s2  }
0xa9: {  	[dreg:$0x3] =	wrdreg s4  }
0xaa: {  	[dreg:$0x4] =	wrdreg $0xC0  }
0xab: {  	_ =	task [dreg:s6], $0x5FFFF  }
0xac: {  	[dreg:$0x1] =	wrdreg $0xFFFFFFFF  }
0xad: {  	[dreg:$0x0] =	wrdreg $0x60  }
0xae: {  	[dreg:$0x2] =	wrdreg s24  }
0xaf: {  	[dreg:$0x3] =	wrdreg $0xB5800  }
0xb0: {  	[dreg:$0x4] =	wrdreg $0x9  }
0xb1: {  	_ =	task.clear_ibuf [dreg:s6], $0x5FFFF;
	_ =	strace $0x90000049  }
0xb2: {  	s29 =	simm.s32 $0x9;
	_ =	strace $0x8000004B  }
0xb3: {  	_ =	swait.ge [sflag:s29], $0x1  }
0xb4: {  	[sflag:s29] =	ssyncadd.s32 $0xFFFFFFFF  }
0xb5: {  	_ =	strace $0x9000004B  }
0xb6: {  	_ =	sfence  }
0xb7: {  	s30 =	sld [smem:$0x0];
	_ =	sdelay $0x2  }
0xb8: {  	s31 =	sshll.u32 s1, $0xD;
	s1 =	sshrl.u32 s1, $0x2  }
0xb9: {  	s3 =	sand.u32 $0x4000, s31;
	s1 =	sadd.s32 s1, s30  }
0xba: {  	s0 =	sor.u32 s3, s0;
	s1 =	sshll.u32 s1, $0x11  }
0xbb: {  	s0 =	sor.u32 s1, s0  }
0xbc: {  	s0 =	sadd.s32 $0x8F2B, s0  }
0xbd: {  	[sflag:s0] =	ssyncadd.remote.s32 $0x1  }
0xbe: {  	_ =	sfence.sel $0xFFFF  }
0xbf: {  	[dreg:$0x0] =	wrdreg $0xFFFFFFFF;
	(pc) =	sbr.abs _section_cstart, $3  }
0xc0: {  	[dreg:$0x1] =	wrdreg $0xFFFFFFFF  }
0xc1: {  	_ =	task.clear_ibuf [dreg:s6], $0x2FFFF;
	_ =	strace $0x9FFFFFFF  }
0xc2: {  	(tm) =	ssettm $0x7FFFFFFF  }
0xc3: {  	_ =	shalt  }
tec
execute0_lowered:
.L_overlay_start_1:
0x0: {  	(tag) =	ssettag $0x1  }
0x1: {  	s0 =	rddreg [dreg:$0x0]  }
0x2: {  	s1 =	rddreg [dreg:$0x1];
	s2 =	simm.s32 $0x0  }
0x3: {  	s3 =	srdreg.scid;
	s12 =	stileid.u32;
	s28 =	simm.s32 $0x4300  }
0x4: {  	s29 =	simm.s32 $0x8D80;
	s30 =	simm.s32 $0x6400;
	s31 =	simm.s32 $0x2  }
0x5: {  	[smem:$0x7FF] =	sst s2;
	s3 =	sand.u32 $0x1, s3;
	s4 =	sadd.s32 $0x16400, s0  }
0x6: {  	s9 =	smul.u32 $0x14000, s12;
	s6 =	sadd.s32 $0x2800, s0;
	s11 =	sshll.u32 s12, $0x7  }
0x7: {  	s13 =	sadd.s32 $0x3E400, s0;
	s16 =	smul.u32 $0x50000, s12;
	_ =	strace $0x8000004A  }
0x8: {  	s5 =	sshll.u32 s3, $0x4;
	s7 =	smul.u32 $0x140000, s3;
	[dreg:$0x3] =	wrdreg s13  }
0x9: {  	s15 =	sand.u32 $0x380, s11;
	s17 =	ssub.s32 $0x2, s3;
	s3 =	smul.u32 $0x27100, s3  }
0xa: {  	s8 =	sor.u32 s12, s5;
	s5 =	sadd.s32 $0xC600, s0;
	s12 =	smul.u32 $0x2710, s12  }
0xb: {  	s18 =	sshrl.u32 s17, $0x1;
	s10 =	sshrl.u32 s8, $0x3;
	s8 =	smul.u32 $0x2710, s8  }
0xc: {  	s7 =	sadd.s32 s9, s7;
	s10 =	smul.u32 $0x14000, s10;
	s3 =	sadd.s32 s12, s3  }
0xd: {  	s7 =	sshrl.u32 s7, $0x3;
	s8 =	sshrl.u32 s8, $0x3;
	s13 =	sadd.s32 $0xC0, s3  }
0xe: {  	s7 =	sadd.s32 s7, s0;
	s19 =	sadd.s32 s5, s8;
	[dreg:$0x11] =	wrdreg s13  }
0xf: {  	s11 =	sadd.s32 $0x100, s3;
	s20 =	sadd.s32 s6, s8;
	[dreg:$0x6] =	wrdreg s19  }
0x10: {  	s21 =	sadd.s32 $0x8, s8;
	s7 =	sadd.s32 $0x3EA00, s7;
	[dreg:$0x7] =	wrdreg s20  }
0x11: {  	s23 =	sadd.s32 $0x10, s8;
	s22 =	sadd.s32 s5, s21;
	[dreg:$0xe] =	wrdreg s7  }
0x12: {  	s9 =	sor.u32 s15, s10;
	s24 =	sadd.s32 s5, s23;
	[dreg:$0x8] =	wrdreg s22  }
0x13: {  	s8 =	sadd.s32 $0x4E0, s8;
	s25 =	sadd.s32 s6, s23;
	[dreg:$0xa] =	wrdreg s24  }
0x14: {  	s10 =	sshrl.u32 s16, $0x2;
	s26 =	sadd.s32 s5, s8;
	[dreg:$0xb] =	wrdreg s25  }
0x15: {  	s13 =	simm.s32 $0x6500;
	s8 =	sadd.s32 s6, s8;
	[dreg:$0xc] =	wrdreg s26  }
0x16: {  	s9 =	sshrl.u32 s9, $0x3;
	s14 =	sadd.s32 s10, s1;
	[dreg:$0xd] =	wrdreg s8  }
0x17: {  	s7 =	sshrl.u32 s11, $0x3;
	s10 =	sadd.s32 $0x2000, s14;
	[dreg:$0x4] =	wrdreg s14  }
0x18: {  	s11 =	simm.s32 $0x80;
	s15 =	sadd.s32 $0x4000, s14;
	[dreg:$0x5] =	wrdreg s10  }
0x19: {  	s0 =	sadd.s32 s9, s0;
	s16 =	sadd.s32 $0x6000, s14;
	[dreg:$0x12] =	wrdreg s15  }
0x1a: {  	s9 =	ssub.s32 s17, s18;
	s17 =	sadd.s32 $0x8000, s14;
	[dreg:$0x13] =	wrdreg s16  }
0x1b: {  	s8 =	sadd.s32 $0x140, s3;
	s18 =	sadd.s32 $0xA000, s14;
	[dreg:$0x14] =	wrdreg s17  }
0x1c: {  	s23 =	sadd.s32 s7, s6;
	s19 =	sadd.s32 $0xC000, s14;
	[dreg:$0x15] =	wrdreg s18  }
0x1d: {  	s24 =	sadd.s32 s7, s5;
	s20 =	sadd.s32 $0xE000, s14;
	[dreg:$0x16] =	wrdreg s19  }
0x1e: {  	s25 =	sadd.s32 $0x10000, s14;
	s26 =	sadd.s32 $0x12000, s14;
	[dreg:$0x17] =	wrdreg s20  }
0x1f: {  	s3 =	simm.s32 $0x3;
	s10 =	sadd.s32 s6, s21;
	[dreg:$0x18] =	wrdreg s25  }
0x20: {  	s0 =	sadd.s32 $0x8EA00, s0;
	s12 =	smax.u32 s9, $0x1;
	[dreg:$0x19] =	wrdreg s26  }
0x21: {  	s9 =	simm.s32 $0x100;
	s16 =	simm.s32 $0xB;
	s15 =	simm.s32 $0x40  }
.Ltmp0:
0x22: {  	s18 =	simm.s32 $0x2200;
	[dreg:$0x9] =	wrdreg s10;
	(pc) =	sbr.rel .LBB2_1-.Ltmp0, $4  }
0x23: {  	s19 =	simm.s32 $0x4200;
	s26 =	simm.s32 $0x7;
	[dreg:$0xf] =	wrdreg s0  }
0x24: {  	s25 =	simm.s32 $0x1;
	s10 =	sshrl.u32 s8, $0x3;
	[dreg:$0x10] =	wrdreg s12  }
0x25: {  	s12 =	simm.s32 $0x4;
	s0 =	simm.s32 $0x6480;
	s8 =	simm.s32 $0x0  }
0x26: {  	v0 =	vimm.f32 $0.0e+00;
	s21 =	sadd.s32 s10, s6;
	s22 =	sadd.s32 s10, s5;
	s10 =	simm.s32 $0x6580  }
.LBB2_8:
0x27: {  	s7 =	simm.s32 $0x8  }
0x28: {  	_ =	swait.ge [sflag:s7], $0x2000  }
0x29: {  	[sflag:s7] =	ssyncset.done $0x0  }
0x2a: {  	s11 =	simm.s32 $0x9;
	[sflag:s7] =	ssyncadd.s32 $0xFFFFE000  }
0x2b: {  	_ =	swait.ge [sflag:s11], $0x2000  }
0x2c: {  	[sflag:s11] =	ssyncset.done $0x0  }
0x2d: {  	s14 =	simm.s32 $0xA;
	[sflag:s11] =	ssyncadd.s32 $0xFFFFE000  }
0x2e: {  	_ =	swait.ge [sflag:s14], $0x2000  }
0x2f: {  	[sflag:s14] =	ssyncset.done $0x0  }
0x30: {  	s8 =	simm.s32 $0x6300;
	s16 =	rddreg [dreg:$0xc];
	[sflag:s14] =	ssyncadd.s32 $0xFFFFE000  }
0x31: {  	[tilespmem:s8], [sflag:$0xB] =	stream.linear.gather [hbm4b:s16+s2], $0x10, $0x38;
	[tilespmem:$0x1F580] =	vst v63  }
0x32: {  	s16 =	simm.s32 $0xB  }
0x33: {  	_ =	swait.ge [sflag:s16], $0x10  }
0x34: {  	[sflag:s16] =	ssyncset.done $0x0  }
0x35: {  	s11 =	simm.s32 $0x6380;
	s17 =	rddreg [dreg:$0xd];
	[sflag:s16] =	ssyncadd.s32 $0xFFFFFFF0  }
0x36: {  	[tilespmem:s11], [sflag:$0xB] =	stream.linear.gather [hbm4b:s17+s2], $0x10, $0x38;
	[tilespmem:$0x1F580] =	vst v63  }
0x37: {  	_ =	swait.ge [sflag:s16], $0x10  }
0x38: {  	[sflag:s16] =	ssyncset.done $0x0  }
0x39: {  	s20 =	simm.s32 $0x10;
	[sflag:s16] =	ssyncadd.s32 $0xFFFFFFF0  }
0x3a: {  	[tilespmem:s9], [sflag:$0x4] =	stream.indirect.gather [hbm4b:s4+s20], $0x80, s8, s20, $0xb8;
	[tilespmem:$0x1F580] =	vst v63  }
0x3b: {  	v1 =	vld [tilespmem:$0x6380];
	_ =	sdelay $0x4  }
0x3c: {  	v2 =	vld [tilespmem:$0x6300];
	_ =	sdelay $0x2  }
0x3d: {  	v1 =	vld.idx.msk [tilespmem:v1+s10+$0x0], $0xffff;
	_ =	sdelay $0x4  }
0x3e: {  	[tilespmem:v2+s29+$0x0] =	vst.idx.add.f32.msk $0xffff, v1  }
0x3f: {  	_ =	swait.ge [sflag:s12], $0x800  }
0x40: {  	[sflag:s12] =	ssyncset.done $0x0  }
0x41: {  	[sflag:s12] =	ssyncadd.s32 $0xFFFFF800  }
0x42: {  	[spmem:s1] =	stream.indirect.scatter.add.f32 [tilespmem:s9], [sflag:$0xB], $0x80, s11, s20, $0xb8;
	[tilespmem:$0x1F580] =	vst v63  }
0x43: {  	_ =	swait.ge [sflag:s16], $0x800  }
0x44: {  	[sflag:s16] =	ssyncset.done $0x0  }
0x45: {  	[sflag:s16] =	ssyncadd.s32 $0xFFFFF800  }
0x46: {  	s14 =	stileid.u32;
	[bflag:$0x0] =	sbarrier.arrive $0xFFFF  }
0x47: {  	s7 =	sshll.u32 s14, $0x6;
	s14 =	rddreg [dreg:$0x4]  }
0x48: {  	s7 =	sor.u32 $0x1C0B, s7;
	s20 =	rddreg [dreg:$0xe];
	s17 =	sshrl.u32 s14, $0x3  }
0x49: {  	[hbm:s20], [sflag:s7] =	dma.local [spmem:s17], $0x2800  }
0x4a: {  	_ =	swait.ge [sflag:s16], $0x2800  }
0x4b: {  	s11 =	simm.s32 $0x80;
	[sflag:s16] =	ssyncset.done $0x0  }
0x4c: {  	s20 =	simm.s32 $0x400;
	s17 =	rddreg [dreg:$0xf];
	[sflag:s16] =	ssyncadd.s32 $0xFFFFD800  }
0x4d: {  	[hbm4b:s17+s11] =	stream.strided.scatter [tilespmem:s29], [sflag:$0xB], $0x2800, s20, s11, $0x38;
	[tilespmem:$0x1F580] =	vst v63  }
0x4e: {  	_ =	swait.ge [sflag:s16], $0x2800  }
0x4f: {  	s17 =	rddreg [dreg:$0x1a]  }
0x50: {  	s20 =	rddreg [dreg:$0x10];
	s8 =	sadd.s32 $0x1, s17  }
0x51: {  	p0 =	sne.s32 s8, s20  }
.Ltmp1:
0x52: {  	_ = 	snop;
	(pc) =	sbr.rel @!p0 .LBB2_9-.Ltmp1, $3  }
0x53: {  	_ =	sdelay $0x1  }
0x54: {  	[sflag:s16] =	ssyncset.done $0x0  }
0x55: {  	[sflag:s16] =	ssyncadd.s32 $0xFFFFD800  }
.LBB2_1:
0x56: {  	[dreg:$0x1a] =	wrdreg s8;
	s7 =	simm.s32 $0x0;
	s8 =	simm.s32 $0x200  }
.LBB2_2:
0x57: {  	p0 =	sne.s32 s8, $0x9E00;
	[tilespmem:s7+$0x8DF0] =	vst v0  }
0x58: {  	[tilespmem:s7+$0x8D80] =	vst v0  }
0x59: {  	[tilespmem:s7+$0x8D90] =	vst v0  }
.Ltmp2:
0x5a: {  	[tilespmem:s7+$0x8DA0] =	vst v0;
	(pc) =	sbr.rel @p0 .LBB2_2-.Ltmp2, $4  }
0x5b: {  	[tilespmem:s7+$0x8DB0] =	vst v0  }
0x5c: {  	[tilespmem:s7+$0x8DC0] =	vst v0  }
0x5d: {  	[tilespmem:s7+$0x8DD0] =	vst v0  }
0x5e: {  	[tilespmem:s7+$0x8DE0] =	vst v0;
	s7 =	sshra.s32 s8, $0x2;
	s8 =	sadd.s32 $0x200, s8  }
0x5f: {  	[tilespmem:s7+$0x8DF0] =	vst v0  }
0x60: {  	[tilespmem:s7+$0x8D80] =	vst v0  }
0x61: {  	[tilespmem:s7+$0x8D90] =	vst v0  }
0x62: {  	[tilespmem:s7+$0x8DA0] =	vst v0  }
0x63: {  	[tilespmem:s7+$0x8DB0] =	vst v0  }
0x64: {  	[tilespmem:s7+$0x8DC0] =	vst v0  }
0x65: {  	[tilespmem:s7+$0x8DD0] =	vst v0  }
0x66: {  	[tilespmem:s7+$0x8DE0] =	vst v0;
	s7 =	simm.s32 $0x0;
	s8 =	simm.s32 $0x200  }
.LBB2_4:
0x67: {  	p0 =	sne.s32 s8, $0x7E00;
	[tilespmem:s7+$0x170] =	vst v0  }
0x68: {  	[tilespmem:s7+$0x100] =	vst v0  }
0x69: {  	[tilespmem:s7+$0x110] =	vst v0  }
.Ltmp3:
0x6a: {  	[tilespmem:s7+$0x120] =	vst v0;
	(pc) =	sbr.rel @p0 .LBB2_4-.Ltmp3, $4  }
0x6b: {  	[tilespmem:s7+$0x130] =	vst v0  }
0x6c: {  	[tilespmem:s7+$0x140] =	vst v0  }
0x6d: {  	[tilespmem:s7+$0x150] =	vst v0  }
0x6e: {  	[tilespmem:s7+$0x160] =	vst v0;
	s7 =	sshra.s32 s8, $0x2;
	s8 =	sadd.s32 $0x200, s8  }
0x6f: {  	[tilespmem:s7+$0x170] =	vst v0  }
0x70: {  	[tilespmem:s7+$0x100] =	vst v0  }
0x71: {  	[tilespmem:s7+$0x110] =	vst v0  }
0x72: {  	[tilespmem:s7+$0x120] =	vst v0  }
0x73: {  	[tilespmem:s7+$0x130] =	vst v0  }
0x74: {  	[tilespmem:s7+$0x140] =	vst v0  }
0x75: {  	[tilespmem:s7+$0x150] =	vst v0  }
0x76: {  	[tilespmem:s7+$0x160] =	vst v0  }
0x77: {  	[spmem:s14] =	stream.linear.scatter [tilespmem:s9], [sflag:$0x4], $0x2000, $0x38;
	[tilespmem:$0x1F580] =	vst v63  }
0x78: {  	s14 =	rddreg [dreg:$0x5]  }
0x79: {  	[spmem:s14] =	stream.linear.scatter [tilespmem:s9], [sflag:$0x4], $0x2000, $0x38;
	[tilespmem:$0x1F580] =	vst v63  }
0x7a: {  	s17 =	rddreg [dreg:$0x12]  }
0x7b: {  	[spmem:s17] =	stream.linear.scatter [tilespmem:s9], [sflag:$0x4], $0x2000, $0x38;
	[tilespmem:$0x1F580] =	vst v63  }
0x7c: {  	s20 =	rddreg [dreg:$0x13]  }
0x7d: {  	[spmem:s20] =	stream.linear.scatter [tilespmem:s9], [sflag:$0x4], $0x2000, $0x38;
	[tilespmem:$0x1F580] =	vst v63  }
0x7e: {  	s8 =	rddreg [dreg:$0x14]  }
0x7f: {  	[spmem:s8] =	stream.linear.scatter [tilespmem:s9], [sflag:$0x4], $0x2000, $0x38;
	[tilespmem:$0x1F580] =	vst v63  }
0x80: {  	s14 =	rddreg [dreg:$0x15]  }
0x81: {  	[spmem:s14] =	stream.linear.scatter [tilespmem:s9], [sflag:$0x4], $0x2000, $0x38;
	[tilespmem:$0x1F580] =	vst v63  }
0x82: {  	s17 =	rddreg [dreg:$0x16]  }
0x83: {  	[spmem:s17] =	stream.linear.scatter [tilespmem:s9], [sflag:$0x4], $0x2000, $0x38;
	[tilespmem:$0x1F580] =	vst v63  }
0x84: {  	s20 =	rddreg [dreg:$0x17]  }
0x85: {  	[spmem:s20] =	stream.linear.scatter [tilespmem:s9], [sflag:$0x4], $0x2000, $0x38;
	[tilespmem:$0x1F580] =	vst v63  }
0x86: {  	s8 =	rddreg [dreg:$0x18]  }
0x87: {  	[spmem:s8] =	stream.linear.scatter [tilespmem:s9], [sflag:$0x4], $0x2000, $0x38;
	[tilespmem:$0x1F580] =	vst v63  }
0x88: {  	s14 =	rddreg [dreg:$0x19]  }
0x89: {  	[spmem:s14] =	stream.linear.scatter [tilespmem:s9], [sflag:$0x4], $0x2000, $0x38;
	[tilespmem:$0x1F580] =	vst v63  }
0x8a: {  	s7 =	simm.s32 $0x0;
	s8 =	rddreg [dreg:$0x3]  }
0x8b: {  	[tilespmem:s10], [sflag:$0xB] =	stream.linear.gather [hbm4b:s8+s7], $0x2800, $0x38;
	[tilespmem:$0x1F580] =	vst v63  }
0x8c: {  	_ =	swait.ge [sflag:s16], $0x2800  }
0x8d: {  	[sflag:s16] =	ssyncset.done $0x0  }
0x8e: {  	[sflag:s16] =	ssyncadd.s32 $0xFFFFD800  }
0x8f: {  	_ =	swait.ge [sflag:s12], $0x2000  }
0x90: {  	[sflag:s12] =	ssyncset.done $0x0  }
0x91: {  	[sflag:s12] =	ssyncadd.s32 $0xFFFFE000  }
0x92: {  	_ =	swait.ge [sflag:s12], $0x2000  }
0x93: {  	[sflag:s12] =	ssyncset.done $0x0  }
0x94: {  	[sflag:s12] =	ssyncadd.s32 $0xFFFFE000  }
0x95: {  	_ =	swait.ge [sflag:s12], $0x2000  }
0x96: {  	[sflag:s12] =	ssyncset.done $0x0  }
0x97: {  	[sflag:s12] =	ssyncadd.s32 $0xFFFFE000  }
0x98: {  	_ =	swait.ge [sflag:s12], $0x2000  }
0x99: {  	[sflag:s12] =	ssyncset.done $0x0  }
0x9a: {  	[sflag:s12] =	ssyncadd.s32 $0xFFFFE000  }
0x9b: {  	_ =	swait.ge [sflag:s12], $0x2000  }
0x9c: {  	[sflag:s12] =	ssyncset.done $0x0  }
0x9d: {  	[sflag:s12] =	ssyncadd.s32 $0xFFFFE000  }
0x9e: {  	_ =	swait.ge [sflag:s12], $0x2000  }
0x9f: {  	[sflag:s12] =	ssyncset.done $0x0  }
0xa0: {  	[sflag:s12] =	ssyncadd.s32 $0xFFFFE000  }
0xa1: {  	_ =	swait.ge [sflag:s12], $0x2000  }
0xa2: {  	[sflag:s12] =	ssyncset.done $0x0  }
0xa3: {  	[sflag:s12] =	ssyncadd.s32 $0xFFFFE000  }
0xa4: {  	_ =	swait.ge [sflag:s12], $0x2000  }
0xa5: {  	[sflag:s12] =	ssyncset.done $0x0  }
0xa6: {  	[sflag:s12] =	ssyncadd.s32 $0xFFFFE000  }
0xa7: {  	_ =	swait.ge [sflag:s12], $0x2000  }
0xa8: {  	[sflag:s12] =	ssyncset.done $0x0  }
0xa9: {  	[sflag:s12] =	ssyncadd.s32 $0xFFFFE000  }
0xaa: {  	_ =	swait.ge [sflag:s12], $0x2000  }
0xab: {  	[sflag:s12] =	ssyncset.done $0x0  }
0xac: {  	s17 =	rddreg [dreg:$0x6];
	[sflag:s12] =	ssyncadd.s32 $0xFFFFE000  }
0xad: {  	[tilespmem:s7], [sflag:$0x5] =	stream.linear.gather [hbm4b:s17+s7], $0x40, $0x38;
	[tilespmem:$0x1F580] =	vst v63  }
0xae: {  	s20 =	rddreg [dreg:$0x7]  }
0xaf: {  	[tilespmem:s11], [sflag:$0x5] =	stream.linear.gather [hbm4b:s20+s7], $0x40, $0x38;
	[tilespmem:$0x1F580] =	vst v63  }
0xb0: {  	s11 =	simm.s32 $0x5  }
0xb1: {  	_ =	swait.ge [sflag:s11], $0x40  }
0xb2: {  	[sflag:s11] =	ssyncset.done $0x0  }
0xb3: {  	[sflag:s11] =	ssyncadd.s32 $0xFFFFFFC0  }
0xb4: {  	_ =	swait.ge [sflag:s11], $0x40  }
0xb5: {  	[sflag:s11] =	ssyncset.done $0x0  }
0xb6: {  	[sflag:s11] =	ssyncadd.s32 $0xFFFFFFC0  }
0xb7: {  	[tilespmem:s9], [sflag:$0x1] =	stream.indirect.gather [hbm4b:s4+s15], $0x80, s7, s15, $0xb8;
	[tilespmem:$0x1F580] =	vst v63  }
0xb8: {  	s16 =	simm.s32 $0x2100;
	s14 =	rddreg [dreg:$0x8]  }
0xb9: {  	[tilespmem:s16], [sflag:$0x6] =	stream.linear.gather [hbm4b:s14+s7], $0x40, $0x38;
	[tilespmem:$0x1F580] =	vst v63  }
0xba: {  	s20 =	simm.s32 $0x2180;
	s17 =	rddreg [dreg:$0x9];
	s14 =	simm.s32 $0x6  }
0xbb: {  	[tilespmem:s20], [sflag:$0x6] =	stream.linear.gather [hbm4b:s17+s7], $0x40, $0x38;
	[tilespmem:$0x1F580] =	vst v63  }
0xbc: {  	_ =	swait.ge [sflag:s14], $0x40  }
0xbd: {  	[sflag:s14] =	ssyncset.done $0x0  }
0xbe: {  	[sflag:s14] =	ssyncadd.s32 $0xFFFFFFC0  }
0xbf: {  	_ =	swait.ge [sflag:s14], $0x40  }
0xc0: {  	[sflag:s14] =	ssyncset.done $0x0  }
0xc1: {  	[sflag:s14] =	ssyncadd.s32 $0xFFFFFFC0  }
0xc2: {  	[tilespmem:s18], [sflag:$0x2] =	stream.indirect.gather [hbm4b:s4+s15], $0x80, s16, s15, $0xb8;
	[tilespmem:$0x1F580] =	vst v63  }
0xc3: {  	s16 =	rddreg [dreg:$0xa]  }
0xc4: {  	[tilespmem:s19], [sflag:$0x7] =	stream.linear.gather [hbm4b:s16+s7], $0x40, $0x38;
	[tilespmem:$0x1F580] =	vst v63  }
0xc5: {  	s20 =	simm.s32 $0x4280;
	s17 =	rddreg [dreg:$0xb]  }
0xc6: {  	[tilespmem:s20], [sflag:$0x7] =	stream.linear.gather [hbm4b:s17+s7], $0x40, $0x38;
	[tilespmem:$0x1F580] =	vst v63  }
0xc7: {  	[bflag:$0x0] =	sbarrier.arrive $0xFFFF  }
0xc8: {  	s8 =	rddreg [dreg:$0x11]  }
.LBB2_6:
0xc9: {  	p0 =	seq.s32 s7, $0x0  }
0xca: {  	s14 =	simm.s32 @!p0 $0xA  }
0xcb: {  	_ =	swait.ge @!p0 [sflag:s14], $0x2000  }
0xcc: {  	[sflag:s14] =	ssyncset.done @!p0 $0x0  }
0xcd: {  	[sflag:s14] =	ssyncadd.s32 @!p0 $0xFFFFE000  }
0xce: {  	_ =	swait.ge [sflag:s26], $0x40  }
0xcf: {  	[sflag:s26] =	ssyncset.done $0x0  }
0xd0: {  	[sflag:s26] =	ssyncadd.s32 $0xFFFFFFC0  }
0xd1: {  	_ =	swait.ge [sflag:s26], $0x40  }
0xd2: {  	[sflag:s26] =	ssyncset.done $0x0  }
0xd3: {  	[sflag:s26] =	ssyncadd.s32 $0xFFFFFFC0  }
0xd4: {  	[tilespmem:s28], [sflag:$0x3] =	stream.indirect.gather [hbm4b:s4+s15], $0x80, s19, s15, $0xb8;
	[tilespmem:$0x1F580] =	vst v63  }
0xd5: {  	v1 =	vld [tilespmem:$0x80];
	_ =	sdelay $0x4  }
0xd6: {  	v2 =	vld [tilespmem:$0x0];
	_ =	sdelay $0x2  }
0xd7: {  	v1 =	vld.idx.msk [tilespmem:v1+s10+$0x0], $0xffff;
	_ =	sdelay $0x4  }
0xd8: {  	[tilespmem:v2+s29+$0x0] =	vst.idx.add.f32.msk $0xffff, v1  }
0xd9: {  	v1 =	vld [tilespmem:$0x90];
	_ =	sdelay $0x4  }
0xda: {  	v2 =	vld [tilespmem:$0x10];
	_ =	sdelay $0x2  }
0xdb: {  	v1 =	vld.idx.msk [tilespmem:v1+s10+$0x0], $0xffff;
	_ =	sdelay $0x4  }
0xdc: {  	[tilespmem:v2+s29+$0x0] =	vst.idx.add.f32.msk $0xffff, v1  }
0xdd: {  	v1 =	vld [tilespmem:$0xA0];
	_ =	sdelay $0x4  }
0xde: {  	v2 =	vld [tilespmem:$0x20];
	_ =	sdelay $0x2  }
0xdf: {  	v1 =	vld.idx.msk [tilespmem:v1+s10+$0x0], $0xffff;
	_ =	sdelay $0x4  }
0xe0: {  	[tilespmem:v2+s29+$0x0] =	vst.idx.add.f32.msk $0xffff, v1  }
0xe1: {  	v1 =	vld [tilespmem:$0xB0];
	_ =	sdelay $0x4  }
0xe2: {  	v2 =	vld [tilespmem:$0x30];
	_ =	sdelay $0x2  }
0xe3: {  	v1 =	vld.idx.msk [tilespmem:v1+s10+$0x0], $0xffff;
	_ =	sdelay $0x4  }
0xe4: {  	[tilespmem:v2+s29+$0x0] =	vst.idx.add.f32.msk $0xffff, v1  }
0xe5: {  	_ =	swait.ge [sflag:s25], $0x2000  }
0xe6: {  	[sflag:s25] =	ssyncset.done $0x0  }
0xe7: {  	[sflag:s25] =	ssyncadd.s32 $0xFFFFE000  }
0xe8: {  	v1 =	vld [tilespmem:$0x80]  }
0xe9: {  	v2 =	vld [tilespmem:$0x90]  }
0xea: {  	v3 =	vld [tilespmem:$0xA0]  }
0xeb: {  	v4 =	vld [tilespmem:$0xB0];
	_ =	sdelay $0x1  }
0xec: {  	[tilespmem:$0x6400] =	vst v1  }
0xed: {  	[tilespmem:$0x6410] =	vst v2  }
0xee: {  	p0 =	seq.s32 s7, $0x4C8;
	[tilespmem:$0x6420] =	vst v3  }
0xef: {  	s14 =	sshrl.u32 @!p0 s8, $0x3;
	[tilespmem:$0x6430] =	vst v4  }
0xf0: {  	[spmem:s1] =	stream.indirect.scatter.add.f32 [tilespmem:s9], [sflag:$0x8], $0x80, s30, s15, $0xb8;
	[tilespmem:$0x1F580] =	vst v63  }
0xf1: {  	s16 =	simm.s32 @!p0 $0x0;
	s17 =	sadd.s32 @!p0 s5, s14  }
0xf2: {  	[tilespmem:s16], [sflag:$0x5] =	stream.linear.gather @!p0 [hbm4b:s17+s16], $0x40, $0x38;
	[tilespmem:$0x1F580] =	vst v63  }
0xf3: {  	s14 =	sadd.s32 @!p0 s6, s14;
	s17 =	simm.s32 @!p0 $0x80  }
0xf4: {  	[tilespmem:s17], [sflag:$0x5] =	stream.linear.gather @!p0 [hbm4b:s14+s16], $0x40, $0x38;
	[tilespmem:$0x1F580] =	vst v63  }
0xf5: {  	s14 =	simm.s32 @!p0 $0x8  }
0xf6: {  	_ =	swait.ge @!p0 [sflag:s14], $0x2000  }
0xf7: {  	[sflag:s14] =	ssyncset.done @!p0 $0x0  }
0xf8: {  	[sflag:s14] =	ssyncadd.s32 @!p0 $0xFFFFE000;
	s14 =	simm.s32 @!p0 $0x5  }
0xf9: {  	_ =	swait.ge @!p0 [sflag:s14], $0x40  }
0xfa: {  	[sflag:s14] =	ssyncset.done @!p0 $0x0  }
0xfb: {  	[sflag:s14] =	ssyncadd.s32 @!p0 $0xFFFFFFC0  }
0xfc: {  	_ =	swait.ge @!p0 [sflag:s14], $0x40  }
0xfd: {  	[sflag:s14] =	ssyncset.done @!p0 $0x0  }
0xfe: {  	s17 =	simm.s32 @!p0 $0x100;
	[sflag:s14] =	ssyncadd.s32 @!p0 $0xFFFFFFC0;
	s14 =	simm.s32 @!p0 $0x40  }
0xff: {  	[tilespmem:s17], [sflag:$0x1] =	stream.indirect.gather @!p0 [hbm4b:s4+s14], $0x80, s16, s14, $0xb8;
	[tilespmem:$0x1F580] =	vst v63  }
0x100: {  	v1 =	vld [tilespmem:$0x2180];
	_ =	sdelay $0x4  }
0x101: {  	v2 =	vld [tilespmem:$0x2100];
	_ =	sdelay $0x2  }
0x102: {  	v1 =	vld.idx.msk [tilespmem:v1+s10+$0x0], $0xffff;
	_ =	sdelay $0x4  }
0x103: {  	[tilespmem:v2+s29+$0x0] =	vst.idx.add.f32.msk $0xffff, v1  }
0x104: {  	v1 =	vld [tilespmem:$0x2190];
	_ =	sdelay $0x4  }
0x105: {  	v2 =	vld [tilespmem:$0x2110];
	_ =	sdelay $0x2  }
0x106: {  	v1 =	vld.idx.msk [tilespmem:v1+s10+$0x0], $0xffff;
	_ =	sdelay $0x4  }
0x107: {  	[tilespmem:v2+s29+$0x0] =	vst.idx.add.f32.msk $0xffff, v1  }
0x108: {  	v1 =	vld [tilespmem:$0x21A0];
	_ =	sdelay $0x4  }
0x109: {  	v2 =	vld [tilespmem:$0x2120];
	_ =	sdelay $0x2  }
0x10a: {  	v1 =	vld.idx.msk [tilespmem:v1+s10+$0x0], $0xffff;
	_ =	sdelay $0x4  }
0x10b: {  	[tilespmem:v2+s29+$0x0] =	vst.idx.add.f32.msk $0xffff, v1  }
0x10c: {  	v1 =	vld [tilespmem:$0x21B0];
	_ =	sdelay $0x4  }
0x10d: {  	v2 =	vld [tilespmem:$0x2130];
	_ =	sdelay $0x2  }
0x10e: {  	v1 =	vld.idx.msk [tilespmem:v1+s10+$0x0], $0xffff;
	_ =	sdelay $0x4  }
0x10f: {  	[tilespmem:v2+s29+$0x0] =	vst.idx.add.f32.msk $0xffff, v1  }
0x110: {  	_ =	swait.ge [sflag:s31], $0x2000  }
0x111: {  	[sflag:s31] =	ssyncset.done $0x0  }
0x112: {  	[sflag:s31] =	ssyncadd.s32 $0xFFFFE000  }
0x113: {  	v1 =	vld [tilespmem:$0x2180]  }
0x114: {  	v2 =	vld [tilespmem:$0x2190]  }
0x115: {  	v3 =	vld [tilespmem:$0x21A0]  }
0x116: {  	v62 =	vld [tilespmem:$0x21B0];
	_ =	sdelay $0x1  }
0x117: {  	[tilespmem:$0x6480] =	vst v1  }
0x118: {  	[tilespmem:$0x6490] =	vst v2  }
0x119: {  	[tilespmem:$0x64A0] =	vst v3  }
0x11a: {  	[tilespmem:$0x64B0] =	vst v62  }
0x11b: {  	[spmem:s1] =	stream.indirect.scatter.add.f32 [tilespmem:s18], [sflag:$0x9], $0x80, s0, s15, $0xb8;
	[tilespmem:$0x1F580] =	vst v63  }
0x11c: {  	s11 =	simm.s32 @!p0 $0x2100;
	s17 =	sadd.s32 @!p0 s7, s24  }
0x11d: {  	[tilespmem:s11], [sflag:$0x6] =	stream.linear.gather @!p0 [hbm4b:s17+s16], $0x40, $0x38;
	[tilespmem:$0x1F580] =	vst v63  }
0x11e: {  	s20 =	simm.s32 @!p0 $0x2180;
	s17 =	sadd.s32 @!p0 s7, s23  }
0x11f: {  	[tilespmem:s20], [sflag:$0x6] =	stream.linear.gather @!p0 [hbm4b:s17+s16], $0x40, $0x38;
	[tilespmem:$0x1F580] =	vst v63  }
0x120: {  	s16 =	simm.s32 @!p0 $0x9  }
0x121: {  	_ =	swait.ge @!p0 [sflag:s16], $0x2000  }
0x122: {  	[sflag:s16] =	ssyncset.done @!p0 $0x0  }
0x123: {  	[sflag:s16] =	ssyncadd.s32 @!p0 $0xFFFFE000;
	s16 =	simm.s32 @!p0 $0x6  }
0x124: {  	_ =	swait.ge @!p0 [sflag:s16], $0x40  }
0x125: {  	[sflag:s16] =	ssyncset.done @!p0 $0x0  }
0x126: {  	[sflag:s16] =	ssyncadd.s32 @!p0 $0xFFFFFFC0  }
0x127: {  	_ =	swait.ge @!p0 [sflag:s16], $0x40  }
0x128: {  	[sflag:s16] =	ssyncset.done @!p0 $0x0  }
0x129: {  	[sflag:s16] =	ssyncadd.s32 @!p0 $0xFFFFFFC0;
	s16 =	simm.s32 @!p0 $0x2200  }
0x12a: {  	[tilespmem:s16], [sflag:$0x2] =	stream.indirect.gather @!p0 [hbm4b:s4+s14], $0x80, s11, s14, $0xb8;
	[tilespmem:$0x1F580] =	vst v63  }
0x12b: {  	v1 =	vld [tilespmem:$0x4280];
	_ =	sdelay $0x4  }
0x12c: {  	v2 =	vld [tilespmem:$0x4200];
	_ =	sdelay $0x2  }
0x12d: {  	v1 =	vld.idx.msk [tilespmem:v1+s10+$0x0], $0xffff;
	_ =	sdelay $0x4  }
0x12e: {  	[tilespmem:v2+s29+$0x0] =	vst.idx.add.f32.msk $0xffff, v1  }
0x12f: {  	v1 =	vld [tilespmem:$0x4290];
	_ =	sdelay $0x4  }
0x130: {  	v2 =	vld [tilespmem:$0x4210];
	_ =	sdelay $0x2  }
0x131: {  	v1 =	vld.idx.msk [tilespmem:v1+s10+$0x0], $0xffff;
	_ =	sdelay $0x4  }
0x132: {  	[tilespmem:v2+s29+$0x0] =	vst.idx.add.f32.msk $0xffff, v1  }
0x133: {  	v1 =	vld [tilespmem:$0x42A0];
	_ =	sdelay $0x4  }
0x134: {  	v2 =	vld [tilespmem:$0x4220];
	_ =	sdelay $0x2  }
0x135: {  	v1 =	vld.idx.msk [tilespmem:v1+s10+$0x0], $0xffff;
	_ =	sdelay $0x4  }
0x136: {  	[tilespmem:v2+s29+$0x0] =	vst.idx.add.f32.msk $0xffff, v1  }
0x137: {  	v1 =	vld [tilespmem:$0x42B0];
	_ =	sdelay $0x4  }
0x138: {  	v2 =	vld [tilespmem:$0x4230];
	_ =	sdelay $0x2  }
0x139: {  	v1 =	vld.idx.msk [tilespmem:v1+s10+$0x0], $0xffff;
	_ =	sdelay $0x4  }
0x13a: {  	[tilespmem:v2+s29+$0x0] =	vst.idx.add.f32.msk $0xffff, v1  }
0x13b: {  	_ =	swait.ge [sflag:s3], $0x2000  }
0x13c: {  	[sflag:s3] =	ssyncset.done $0x0  }
0x13d: {  	[sflag:s3] =	ssyncadd.s32 $0xFFFFE000  }
0x13e: {  	v1 =	vld [tilespmem:$0x4280]  }
0x13f: {  	v2 =	vld [tilespmem:$0x4290]  }
0x140: {  	v3 =	vld [tilespmem:$0x42A0]  }
0x141: {  	v63 =	vld [tilespmem:$0x42B0];
	_ =	sdelay $0x1  }
.Ltmp4:
0x142: {  	[tilespmem:$0x6500] =	vst v1;
	(pc) =	sbr.rel @p0 .LBB2_8-.Ltmp4, $4  }
0x143: {  	[tilespmem:$0x6510] =	vst v2  }
0x144: {  	[tilespmem:$0x6520] =	vst v3  }
0x145: {  	[tilespmem:$0x6530] =	vst v63  }
0x146: {  	[spmem:s1] =	stream.indirect.scatter.add.f32 [tilespmem:s28], [sflag:$0xA], $0x80, s13, s15, $0xb8;
	[tilespmem:$0x1F580] =	vst v63  }
.Ltmp5:
0x147: {  	(pc) =	sbr.rel .LBB2_6-.Ltmp5, $4  }
0x148: {  	s11 =	sadd.s32 s7, s22;
	s20 =	sadd.s32 s7, s21  }
0x149: {  	[tilespmem:s19], [sflag:$0x7] =	stream.linear.gather [hbm4b:s11+s2], $0x40, $0x38;
	[tilespmem:$0x1F580] =	vst v63  }
0x14a: {  	s14 =	simm.s32 $0x4280;
	s7 =	sadd.s32 $0x18, s7;
	s8 =	sadd.s32 $0xC0, s8  }
0x14b: {  	[tilespmem:s14], [sflag:$0x7] =	stream.linear.gather [hbm4b:s20+s2], $0x40, $0x38;
	[tilespmem:$0x1F580] =	vst v63  }
.LBB2_9:
0x14c: {  	_ =	sfence.sel $0x180000  }
0x14d: {  	[bflag:$0x0] =	sbarrier.arrive $0xFFFF  }
0x14e: {  	_ =	strace $0x9000004A  }
0x14f: {  	s0 =	stileid.u32;
	[bflag:$0x2] =	sbarrier.arrive $0xFFFF  }
0x150: {  	p0 =	sne.s32 s0, $0x0;
	s0 =	rddreg [dreg:$0x2]  }
0x151: {  	s0 =	sadd.s32 @!p0 $0x100000, s0  }
0x152: {  	[sflag:s0] =	ssyncadd.tile.s32 @!p0 $0x1;
	_ =	shalt  }
.Lfunc_end2:
_tile_overlayer_lowered:
.L_overlay_start_2:
0x153: {  	(tag) =	ssettag $0x2  }
0x154: {  	s0 =	rddreg [dreg:$0x0];
	s2 =	stileid.u32  }
0x155: {  	s1 =	rddreg [dreg:$0x1];
	p0 =	sne.s32 s2, $0x0  }
0x156: {  	s3 =	rddreg [dreg:$0x2];
	[bflag:$0x3] =	sbarrier.arrive $0xFFFF;
	s2 =	simm.s32 @!p0 $0x1C0B  }
0x157: {  	[timem:s3], [sflag:s2] =	dma.local @!p0 [hbm:s0], s1  }
0x158: {  	s0 =	simm.s32 @!p0 $0xB  }
0x159: {  	_ =	swait.ge @!p0 [sflag:s0], s1  }
0x15a: {  	s1 =	ssub.s32 @!p0 $0x0, s1;
	[sflag:s0] =	ssyncset.done @!p0 $0x0  }
0x15b: {  	[sflag:s0] =	ssyncadd.s32 @!p0 s1  }
0x15c: {  	[bflag:$0x3] =	sbarrier.arrive $0xFFFF  }
0x15d: {  	_ =	shalt  }

</sc_bundles>
